<compile_context>
chip_gen: v7x
topology: tpu7x:2x2x1
jax: 0.10.2.dev20260603
libtpu: 0.0.44.dev20260713+nightly
codegen_flags: <defaults>
</compile_context>

<pallas_src>
import functools

import jax
import jax.numpy as jnp
from jax import lax
from jax.experimental import pallas as pl
from jax.experimental.pallas import tpu as pltpu
from jax.experimental.pallas import tpu_sc as plsc

_N_E = 8192
_E_DIM = 256
_BETA = 0.25

_BM = 1024
_BN = 1024
_M = 16384
_NB = _M // _BM
_NCHUNK = _N_E // _BN

_NW = 32
_ROWS_PER_W = _M // _NW
_SC_CHUNK = 128
_NSC_CHUNK = _ROWS_PER_W // _SC_CHUNK


_FOLD_BOUNDS = (0, 2736, 5472, 8192)
_NFOLD = len(_FOLD_BOUNDS) - 1


def _argmin_body(zsq_ref, esq_ref, z_ref, et_ref, idx_ref, loss_ref):
    i = pl.program_id(0)
    z = z_ref[...]
    zsq = zsq_ref[...]
    inf = jnp.float32(jnp.inf)
    cv = [None] * _NFOLD
    ci = [None] * _NFOLD
    for jn in range(_NCHUNK):
        et = et_ref[:, jn * _BN:(jn + 1) * _BN]
        esq = esq_ref[:, jn * _BN:(jn + 1) * _BN]
        m2 = lax.dot_general(z, et, (((1,), (0,)), ((), ())),
                             preferred_element_type=jnp.float32)
        d = (zsq + esq) + m2
        col = lax.broadcasted_iota(jnp.int32, (_BM, _BN), 1) + jn * _BN
        b0, b1 = jn * _BN, (jn + 1) * _BN
        for c in range(_NFOLD):
            lo = max(_FOLD_BOUNDS[c], b0)
            hi = min(_FOLD_BOUNDS[c + 1], b1)
            if lo >= hi:
                continue
            if lo == b0 and hi == b1:
                dm = d
            else:
                dm = jnp.where((col >= lo) & (col < hi), d, inf)
            mv = jnp.min(dm, axis=1, keepdims=True)
            cidx = jnp.min(jnp.where(dm == mv, col, _N_E), axis=1, keepdims=True)
            if cv[c] is None:
                cv[c], ci[c] = mv, cidx
            else:
                upd = mv < cv[c]
                ci[c] = jnp.where(upd, cidx, ci[c])
                cv[c] = jnp.where(upd, mv, cv[c])
    acc_v, acc_i, acc_e = cv[0], ci[0], cv[0]
    for c in range(1, _NFOLD):
        acc_v = acc_v.astype(jnp.bfloat16).astype(jnp.float32)
        upd = cv[c] < acc_v
        acc_i = jnp.where(upd, ci[c], acc_i)
        acc_e = jnp.where(upd, cv[c], acc_e)
        acc_v = jnp.where(upd, cv[c], acc_v)
    best_idx = acc_i
    best_val = acc_e
    idx_ref[...] = best_idx

    @pl.when(i == 0)
    def _init():
        loss_ref[...] = jnp.zeros((1, 1), dtype=jnp.float32)

    loss_ref[...] += jnp.sum(best_val, axis=(0, 1), keepdims=True)

    @pl.when(i == _NB - 1)
    def _finish():
        loss_ref[...] = loss_ref[...] * (_BETA / float(_M * _E_DIM))


def _tc_argmin(zsq, esq, z_flat, et):
    return pl.pallas_call(
        _argmin_body,
        grid=(_NB,),
        in_specs=[
            pl.BlockSpec((_BM, 1), lambda i: (i, 0)),
            pl.BlockSpec((1, _N_E), lambda i: (0, 0)),
            pl.BlockSpec((_BM, _E_DIM), lambda i: (i, 0)),
            pl.BlockSpec((_E_DIM, _N_E), lambda i: (0, 0)),
        ],
        out_specs=[
            pl.BlockSpec((_BM, 1), lambda i: (i, 0)),
            pl.BlockSpec((1, 1), lambda i: (0, 0)),
        ],
        out_shape=[
            jax.ShapeDtypeStruct((_M, 1), jnp.int32),
            jax.ShapeDtypeStruct((1, 1), jnp.float32),
        ],
    )(zsq, esq, z_flat, et)


def _sc_body(e_hbm, idx_hbm, out_hbm, idx_v, rows_v, sem):
    wid = lax.axis_index("s") * 2 + lax.axis_index("c")
    for c in range(_NSC_CHUNK):
        base = wid * _ROWS_PER_W + c * _SC_CHUNK
        pltpu.sync_copy(idx_hbm.at[pl.ds(base, _SC_CHUNK)], idx_v)
        pltpu.async_copy(e_hbm.at[idx_v], rows_v, sem).wait()
        pltpu.sync_copy(rows_v, out_hbm.at[pl.ds(base, _SC_CHUNK)])


def _sc_gather(embeddings, indices):
    mesh = plsc.VectorSubcoreMesh(core_axis_name="c", subcore_axis_name="s")
    return pl.kernel(
        _sc_body,
        out_type=jax.ShapeDtypeStruct((_M, _E_DIM), jnp.float32),
        mesh=mesh,
        scratch_types=[
            pltpu.VMEM((_SC_CHUNK,), jnp.int32),
            pltpu.VMEM((_SC_CHUNK, _E_DIM), jnp.float32),
            pltpu.SemaphoreType.DMA,
        ],
    )(embeddings, indices)


def kernel(z, embeddings):
    old_shape = z.shape
    z_flat = z.reshape(-1, _E_DIM)
    zsq = jnp.sum(z_flat ** 2, axis=1, keepdims=True)
    esq = jnp.sum(embeddings ** 2, axis=1).reshape(1, _N_E)
    z_bf = z_flat.astype(jnp.bfloat16)
    et_bf = (-2.0 * embeddings).T.astype(jnp.bfloat16)
    idx2, loss2 = _tc_argmin(zsq, esq, z_bf, et_bf)
    indices = idx2.reshape(_M)
    z_q = _sc_gather(embeddings, indices)
    return z_q.reshape(old_shape), indices, loss2[0, 0]

# --- scband reference (transcript-rebuilt; emitter-appended) ---
"""Pipeline reference for scband-vector-quantizer-ema-54142357733979 (READ-ONLY COPY).

The authoritative reference and input builder live on the scoring server;
editing this copy changes nothing except your own understanding.
"""

import jax, jax.numpy as jnp
import numpy as np

N_E = 8192
E_DIM = 256
BETA = 0.25
DECAY = 0.99
EPS = 1e-05


def setup_inputs(seed: int = 0) -> dict:
    key = jax.random.key(seed)
    k1, k2 = jax.random.split(key)
    z = jax.random.normal(k1, (16, 1024, 256), dtype=jnp.float32)
    # xavier_uniform init for embeddings [N_E, E_DIM]
    limit = float(np.sqrt(6.0 / (N_E + E_DIM)))
    embeddings = jax.random.uniform(k2, (N_E, E_DIM), minval=-limit, maxval=limit, dtype=jnp.float32)
    return {"z": z, "embeddings": embeddings}


def reference(z, embeddings):
    old_shape = z.shape
    z_flat = z.reshape(-1, E_DIM)
    # squared L2 distances to every codebook entry
    distances = (jnp.sum(z_flat ** 2, axis=1, keepdims=True)
                 + jnp.sum(embeddings ** 2, axis=1)
                 - 2.0 * jnp.einsum('bd,nd->bn', z_flat, embeddings))
    min_encoding_indices = jnp.argmin(distances, axis=1)
    encodings = jax.nn.one_hot(min_encoding_indices, N_E, dtype=jnp.float32)
    z_q = jnp.take(embeddings, min_encoding_indices, axis=0).reshape(old_shape)

    # --- EMA codebook update (training path, first call: counter=1, hidden=0) ---
    bins = jnp.sum(encodings, axis=0)
    hidden_cs = bins * (1.0 - DECAY)              # hidden_1 = 0 - (0 - bins)*(1-decay)
    upd_cs = hidden_cs / (1.0 - DECAY ** 1)        # debias
    n = jnp.sum(upd_cs)
    upd_cs = (upd_cs + EPS) / (n + N_E * EPS) * n
    dw = encodings.T @ z_flat
    hidden_dw = dw * (1.0 - DECAY)
    upd_dw = hidden_dw / (1.0 - DECAY ** 1)
    new_embeddings = upd_dw / upd_cs.reshape(-1, 1)  # side-effect buffer update in torch
    del new_embeddings

    loss = BETA * jnp.mean((z - jax.lax.stop_gradient(z_q)) ** 2)
    z_q_st = z + jax.lax.stop_gradient(z_q - z)
    return (z_q_st.reshape(old_shape), min_encoding_indices, loss)

if __name__ == "__main__":
    import jax
    _d = setup_inputs()
    print(jax.jit(kernel)(*tuple(_d.values())))

</pallas_src>

<mosaic_0001>
#map = affine_map<(d0, d1) -> (0, 0)>
#map1 = affine_map<(d0, d1) -> (0)>
module attributes {stable_mosaic.version = 14 : i64} {
  func.func @_sc_body(%arg0: i32, %arg1: i32, %arg2: memref<8192x256xf32, #tpu.memory_space<hbm>>, %arg3: memref<16384xi32, #tpu.memory_space<hbm>>, %arg4: memref<16384x256xf32, #tpu.memory_space<hbm>>, %arg5: memref<128xi32, #tpu.memory_space<vmem>>, %arg6: memref<128x256xf32, #tpu.memory_space<vmem>>, %arg7: memref<!tpu.dma_semaphore, #tpu.memory_space<semaphore_mem>>) attributes {dimension_semantics = [#tpu.dimension_semantics<core_parallel>, #tpu.dimension_semantics<subcore_parallel>], iteration_bounds = array<i64: 2, 16>, scalar_prefetch = 0 : i64, scratch_operands = 3 : i64, tpu.core_type = #tpu.core_type<sc_vector_subcore>, window_params = [{transform_indices = #map}, {transform_indices = #map1}, {transform_indices = #map}]} {
    %mul3A = arith.constant 2 : i32
    %mul3A_0 = arith.muli %arg1, %mul3A : i32
    %add3A = arith.addi %mul3A_0, %arg0 : i32
    %mul3A_1 = arith.constant 512 : i32
    %mul3A_2 = arith.muli %add3A, %mul3A_1 : i32
    %add3A_3 = arith.constant 0 : i32
    %add3A_4 = arith.addi %mul3A_2, %add3A_3 : i32
    "tpu.region"() ({
      %run_scoped3A = tpu.sem_alloc : memref<!tpu.dma_semaphore, #tpu.memory_space<semaphore_mem>>
      %dma_start3A_39 = tpu.memref_slice %arg3[%add3A_4] : memref<16384xi32, #tpu.memory_space<hbm>> -> memref<128xi32, #tpu.memory_space<hbm>>
      %dma_start3A_40 = tpu.memref_slice %arg3[%add3A_4] : memref<16384xi32, #tpu.memory_space<hbm>> -> memref<128xi32, #tpu.memory_space<hbm>>
      tpu.enqueue_dma source(%dma_start3A_40 : memref<128xi32, #tpu.memory_space<hbm>>) target(%arg5 : memref<128xi32, #tpu.memory_space<vmem>>) target_semaphore(%run_scoped3A : memref<!tpu.dma_semaphore, #tpu.memory_space<semaphore_mem>>)
      %dma_wait3A_41 = tpu.memref_slice %arg3[%add3A_4] : memref<16384xi32, #tpu.memory_space<hbm>> -> memref<128xi32, #tpu.memory_space<hbm>>
      %dma_wait3A_42 = tpu.memref_slice %arg3[%add3A_4] : memref<16384xi32, #tpu.memory_space<hbm>> -> memref<128xi32, #tpu.memory_space<hbm>>
      tpu.wait_dma2 semaphore(%run_scoped3A : memref<!tpu.dma_semaphore, #tpu.memory_space<semaphore_mem>>) src(%dma_wait3A_42 : memref<128xi32, #tpu.memory_space<hbm>>) dst(%arg5 : memref<128xi32, #tpu.memory_space<vmem>>)
      tpu.yield
    }) : () -> ()
    %dma_start3A = arith.constant 0 : i32
    %dma_start3A_5 = arith.constant 0 : i32
    %dma_start3A_6 = tpu.memref_slice %arg2[%dma_start3A, %dma_start3A_5] : memref<8192x256xf32, #tpu.memory_space<hbm>> -> memref<8192x256xf32, #tpu.memory_space<hbm>>
    tpu.enqueue_indirect_dma source(%dma_start3A_6 : memref<8192x256xf32, #tpu.memory_space<hbm>>) target(%arg6 : memref<128x256xf32, #tpu.memory_space<vmem>>) offsets(%arg5 : memref<128xi32, #tpu.memory_space<vmem>>) semaphore(%arg7 : memref<!tpu.dma_semaphore, #tpu.memory_space<semaphore_mem>>)
    %dma_wait3A = arith.constant 0 : i32
    %dma_wait3A_7 = arith.constant 0 : i32
    %dma_wait3A_8 = tpu.memref_slice %arg2[%dma_wait3A, %dma_wait3A_7] : memref<8192x256xf32, #tpu.memory_space<hbm>> -> memref<8192x256xf32, #tpu.memory_space<hbm>>
    tpu.wait_indirect_dma semaphore(%arg7 : memref<!tpu.dma_semaphore, #tpu.memory_space<semaphore_mem>>) src(%dma_wait3A_8 : memref<8192x256xf32, #tpu.memory_space<hbm>>) dst(%arg6 : memref<128x256xf32, #tpu.memory_space<vmem>>)
    "tpu.region"() ({
      %run_scoped3A = tpu.sem_alloc : memref<!tpu.dma_semaphore, #tpu.memory_space<semaphore_mem>>
      %dma_start3A_39 = arith.constant 0 : i32
      %dma_start3A_40 = tpu.memref_slice %arg4[%add3A_4, %dma_start3A_39] : memref<16384x256xf32, #tpu.memory_space<hbm>> -> memref<128x256xf32, #tpu.memory_space<hbm>>
      %dma_start3A_41 = arith.constant 0 : i32
      %dma_start3A_42 = tpu.memref_slice %arg4[%add3A_4, %dma_start3A_41] : memref<16384x256xf32, #tpu.memory_space<hbm>> -> memref<128x256xf32, #tpu.memory_space<hbm>>
      tpu.enqueue_dma source(%arg6 : memref<128x256xf32, #tpu.memory_space<vmem>>) target(%dma_start3A_42 : memref<128x256xf32, #tpu.memory_space<hbm>>) target_semaphore(%run_scoped3A : memref<!tpu.dma_semaphore, #tpu.memory_space<semaphore_mem>>)
      %dma_wait3A_43 = arith.constant 0 : i32
      %dma_wait3A_44 = tpu.memref_slice %arg4[%add3A_4, %dma_wait3A_43] : memref<16384x256xf32, #tpu.memory_space<hbm>> -> memref<128x256xf32, #tpu.memory_space<hbm>>
      %dma_wait3A_45 = arith.constant 0 : i32
      %dma_wait3A_46 = tpu.memref_slice %arg4[%add3A_4, %dma_wait3A_45] : memref<16384x256xf32, #tpu.memory_space<hbm>> -> memref<128x256xf32, #tpu.memory_space<hbm>>
      tpu.wait_dma2 semaphore(%run_scoped3A : memref<!tpu.dma_semaphore, #tpu.memory_space<semaphore_mem>>) src(%arg6 : memref<128x256xf32, #tpu.memory_space<vmem>>) dst(%dma_wait3A_46 : memref<128x256xf32, #tpu.memory_space<hbm>>)
      tpu.yield
    }) : () -> ()
    %mul3A_9 = arith.constant 512 : i32
    %mul3A_10 = arith.muli %add3A, %mul3A_9 : i32
    %add3A_11 = arith.constant 128 : i32
    %add3A_12 = arith.addi %mul3A_10, %add3A_11 : i32
    "tpu.region"() ({
      %run_scoped3A = tpu.sem_alloc : memref<!tpu.dma_semaphore, #tpu.memory_space<semaphore_mem>>
      %dma_start3A_39 = tpu.memref_slice %arg3[%add3A_12] : memref<16384xi32, #tpu.memory_space<hbm>> -> memref<128xi32, #tpu.memory_space<hbm>>
      %dma_start3A_40 = tpu.memref_slice %arg3[%add3A_12] : memref<16384xi32, #tpu.memory_space<hbm>> -> memref<128xi32, #tpu.memory_space<hbm>>
      tpu.enqueue_dma source(%dma_start3A_40 : memref<128xi32, #tpu.memory_space<hbm>>) target(%arg5 : memref<128xi32, #tpu.memory_space<vmem>>) target_semaphore(%run_scoped3A : memref<!tpu.dma_semaphore, #tpu.memory_space<semaphore_mem>>)
      %dma_wait3A_41 = tpu.memref_slice %arg3[%add3A_12] : memref<16384xi32, #tpu.memory_space<hbm>> -> memref<128xi32, #tpu.memory_space<hbm>>
      %dma_wait3A_42 = tpu.memref_slice %arg3[%add3A_12] : memref<16384xi32, #tpu.memory_space<hbm>> -> memref<128xi32, #tpu.memory_space<hbm>>
      tpu.wait_dma2 semaphore(%run_scoped3A : memref<!tpu.dma_semaphore, #tpu.memory_space<semaphore_mem>>) src(%dma_wait3A_42 : memref<128xi32, #tpu.memory_space<hbm>>) dst(%arg5 : memref<128xi32, #tpu.memory_space<vmem>>)
      tpu.yield
    }) : () -> ()
    %dma_start3A_13 = arith.constant 0 : i32
    %dma_start3A_14 = arith.constant 0 : i32
    %dma_start3A_15 = tpu.memref_slice %arg2[%dma_start3A_13, %dma_start3A_14] : memref<8192x256xf32, #tpu.memory_space<hbm>> -> memref<8192x256xf32, #tpu.memory_space<hbm>>
    tpu.enqueue_indirect_dma source(%dma_start3A_15 : memref<8192x256xf32, #tpu.memory_space<hbm>>) target(%arg6 : memref<128x256xf32, #tpu.memory_space<vmem>>) offsets(%arg5 : memref<128xi32, #tpu.memory_space<vmem>>) semaphore(%arg7 : memref<!tpu.dma_semaphore, #tpu.memory_space<semaphore_mem>>)
    %dma_wait3A_16 = arith.constant 0 : i32
    %dma_wait3A_17 = arith.constant 0 : i32
    %dma_wait3A_18 = tpu.memref_slice %arg2[%dma_wait3A_16, %dma_wait3A_17] : memref<8192x256xf32, #tpu.memory_space<hbm>> -> memref<8192x256xf32, #tpu.memory_space<hbm>>
    tpu.wait_indirect_dma semaphore(%arg7 : memref<!tpu.dma_semaphore, #tpu.memory_space<semaphore_mem>>) src(%dma_wait3A_18 : memref<8192x256xf32, #tpu.memory_space<hbm>>) dst(%arg6 : memref<128x256xf32, #tpu.memory_space<vmem>>)
    "tpu.region"() ({
      %run_scoped3A = tpu.sem_alloc : memref<!tpu.dma_semaphore, #tpu.memory_space<semaphore_mem>>
      %dma_start3A_39 = arith.constant 0 : i32
      %dma_start3A_40 = tpu.memref_slice %arg4[%add3A_12, %dma_start3A_39] : memref<16384x256xf32, #tpu.memory_space<hbm>> -> memref<128x256xf32, #tpu.memory_space<hbm>>
      %dma_start3A_41 = arith.constant 0 : i32
      %dma_start3A_42 = tpu.memref_slice %arg4[%add3A_12, %dma_start3A_41] : memref<16384x256xf32, #tpu.memory_space<hbm>> -> memref<128x256xf32, #tpu.memory_space<hbm>>
      tpu.enqueue_dma source(%arg6 : memref<128x256xf32, #tpu.memory_space<vmem>>) target(%dma_start3A_42 : memref<128x256xf32, #tpu.memory_space<hbm>>) target_semaphore(%run_scoped3A : memref<!tpu.dma_semaphore, #tpu.memory_space<semaphore_mem>>)
      %dma_wait3A_43 = arith.constant 0 : i32
      %dma_wait3A_44 = tpu.memref_slice %arg4[%add3A_12, %dma_wait3A_43] : memref<16384x256xf32, #tpu.memory_space<hbm>> -> memref<128x256xf32, #tpu.memory_space<hbm>>
      %dma_wait3A_45 = arith.constant 0 : i32
      %dma_wait3A_46 = tpu.memref_slice %arg4[%add3A_12, %dma_wait3A_45] : memref<16384x256xf32, #tpu.memory_space<hbm>> -> memref<128x256xf32, #tpu.memory_space<hbm>>
      tpu.wait_dma2 semaphore(%run_scoped3A : memref<!tpu.dma_semaphore, #tpu.memory_space<semaphore_mem>>) src(%arg6 : memref<128x256xf32, #tpu.memory_space<vmem>>) dst(%dma_wait3A_46 : memref<128x256xf32, #tpu.memory_space<hbm>>)
      tpu.yield
    }) : () -> ()
    %mul3A_19 = arith.constant 512 : i32
    %mul3A_20 = arith.muli %add3A, %mul3A_19 : i32
    %add3A_21 = arith.constant 256 : i32
    %add3A_22 = arith.addi %mul3A_20, %add3A_21 : i32
    "tpu.region"() ({
      %run_scoped3A = tpu.sem_alloc : memref<!tpu.dma_semaphore, #tpu.memory_space<semaphore_mem>>
      %dma_start3A_39 = tpu.memref_slice %arg3[%add3A_22] : memref<16384xi32, #tpu.memory_space<hbm>> -> memref<128xi32, #tpu.memory_space<hbm>>
      %dma_start3A_40 = tpu.memref_slice %arg3[%add3A_22] : memref<16384xi32, #tpu.memory_space<hbm>> -> memref<128xi32, #tpu.memory_space<hbm>>
      tpu.enqueue_dma source(%dma_start3A_40 : memref<128xi32, #tpu.memory_space<hbm>>) target(%arg5 : memref<128xi32, #tpu.memory_space<vmem>>) target_semaphore(%run_scoped3A : memref<!tpu.dma_semaphore, #tpu.memory_space<semaphore_mem>>)
      %dma_wait3A_41 = tpu.memref_slice %arg3[%add3A_22] : memref<16384xi32, #tpu.memory_space<hbm>> -> memref<128xi32, #tpu.memory_space<hbm>>
      %dma_wait3A_42 = tpu.memref_slice %arg3[%add3A_22] : memref<16384xi32, #tpu.memory_space<hbm>> -> memref<128xi32, #tpu.memory_space<hbm>>
      tpu.wait_dma2 semaphore(%run_scoped3A : memref<!tpu.dma_semaphore, #tpu.memory_space<semaphore_mem>>) src(%dma_wait3A_42 : memref<128xi32, #tpu.memory_space<hbm>>) dst(%arg5 : memref<128xi32, #tpu.memory_space<vmem>>)
      tpu.yield
    }) : () -> ()
    %dma_start3A_23 = arith.constant 0 : i32
    %dma_start3A_24 = arith.constant 0 : i32
    %dma_start3A_25 = tpu.memref_slice %arg2[%dma_start3A_23, %dma_start3A_24] : memref<8192x256xf32, #tpu.memory_space<hbm>> -> memref<8192x256xf32, #tpu.memory_space<hbm>>
    tpu.enqueue_indirect_dma source(%dma_start3A_25 : memref<8192x256xf32, #tpu.memory_space<hbm>>) target(%arg6 : memref<128x256xf32, #tpu.memory_space<vmem>>) offsets(%arg5 : memref<128xi32, #tpu.memory_space<vmem>>) semaphore(%arg7 : memref<!tpu.dma_semaphore, #tpu.memory_space<semaphore_mem>>)
    %dma_wait3A_26 = arith.constant 0 : i32
    %dma_wait3A_27 = arith.constant 0 : i32
    %dma_wait3A_28 = tpu.memref_slice %arg2[%dma_wait3A_26, %dma_wait3A_27] : memref<8192x256xf32, #tpu.memory_space<hbm>> -> memref<8192x256xf32, #tpu.memory_space<hbm>>
    tpu.wait_indirect_dma semaphore(%arg7 : memref<!tpu.dma_semaphore, #tpu.memory_space<semaphore_mem>>) src(%dma_wait3A_28 : memref<8192x256xf32, #tpu.memory_space<hbm>>) dst(%arg6 : memref<128x256xf32, #tpu.memory_space<vmem>>)
    "tpu.region"() ({
      %run_scoped3A = tpu.sem_alloc : memref<!tpu.dma_semaphore, #tpu.memory_space<semaphore_mem>>
      %dma_start3A_39 = arith.constant 0 : i32
      %dma_start3A_40 = tpu.memref_slice %arg4[%add3A_22, %dma_start3A_39] : memref<16384x256xf32, #tpu.memory_space<hbm>> -> memref<128x256xf32, #tpu.memory_space<hbm>>
      %dma_start3A_41 = arith.constant 0 : i32
      %dma_start3A_42 = tpu.memref_slice %arg4[%add3A_22, %dma_start3A_41] : memref<16384x256xf32, #tpu.memory_space<hbm>> -> memref<128x256xf32, #tpu.memory_space<hbm>>
      tpu.enqueue_dma source(%arg6 : memref<128x256xf32, #tpu.memory_space<vmem>>) target(%dma_start3A_42 : memref<128x256xf32, #tpu.memory_space<hbm>>) target_semaphore(%run_scoped3A : memref<!tpu.dma_semaphore, #tpu.memory_space<semaphore_mem>>)
      %dma_wait3A_43 = arith.constant 0 : i32
      %dma_wait3A_44 = tpu.memref_slice %arg4[%add3A_22, %dma_wait3A_43] : memref<16384x256xf32, #tpu.memory_space<hbm>> -> memref<128x256xf32, #tpu.memory_space<hbm>>
      %dma_wait3A_45 = arith.constant 0 : i32
      %dma_wait3A_46 = tpu.memref_slice %arg4[%add3A_22, %dma_wait3A_45] : memref<16384x256xf32, #tpu.memory_space<hbm>> -> memref<128x256xf32, #tpu.memory_space<hbm>>
      tpu.wait_dma2 semaphore(%run_scoped3A : memref<!tpu.dma_semaphore, #tpu.memory_space<semaphore_mem>>) src(%arg6 : memref<128x256xf32, #tpu.memory_space<vmem>>) dst(%dma_wait3A_46 : memref<128x256xf32, #tpu.memory_space<hbm>>)
      tpu.yield
    }) : () -> ()
    %mul3A_29 = arith.constant 512 : i32
    %mul3A_30 = arith.muli %add3A, %mul3A_29 : i32
    %add3A_31 = arith.constant 384 : i32
    %add3A_32 = arith.addi %mul3A_30, %add3A_31 : i32
    "tpu.region"() ({
      %run_scoped3A = tpu.sem_alloc : memref<!tpu.dma_semaphore, #tpu.memory_space<semaphore_mem>>
      %dma_start3A_39 = tpu.memref_slice %arg3[%add3A_32] : memref<16384xi32, #tpu.memory_space<hbm>> -> memref<128xi32, #tpu.memory_space<hbm>>
      %dma_start3A_40 = tpu.memref_slice %arg3[%add3A_32] : memref<16384xi32, #tpu.memory_space<hbm>> -> memref<128xi32, #tpu.memory_space<hbm>>
      tpu.enqueue_dma source(%dma_start3A_40 : memref<128xi32, #tpu.memory_space<hbm>>) target(%arg5 : memref<128xi32, #tpu.memory_space<vmem>>) target_semaphore(%run_scoped3A : memref<!tpu.dma_semaphore, #tpu.memory_space<semaphore_mem>>)
      %dma_wait3A_41 = tpu.memref_slice %arg3[%add3A_32] : memref<16384xi32, #tpu.memory_space<hbm>> -> memref<128xi32, #tpu.memory_space<hbm>>
      %dma_wait3A_42 = tpu.memref_slice %arg3[%add3A_32] : memref<16384xi32, #tpu.memory_space<hbm>> -> memref<128xi32, #tpu.memory_space<hbm>>
      tpu.wait_dma2 semaphore(%run_scoped3A : memref<!tpu.dma_semaphore, #tpu.memory_space<semaphore_mem>>) src(%dma_wait3A_42 : memref<128xi32, #tpu.memory_space<hbm>>) dst(%arg5 : memref<128xi32, #tpu.memory_space<vmem>>)
      tpu.yield
    }) : () -> ()
    %dma_start3A_33 = arith.constant 0 : i32
    %dma_start3A_34 = arith.constant 0 : i32
    %dma_start3A_35 = tpu.memref_slice %arg2[%dma_start3A_33, %dma_start3A_34] : memref<8192x256xf32, #tpu.memory_space<hbm>> -> memref<8192x256xf32, #tpu.memory_space<hbm>>
    tpu.enqueue_indirect_dma source(%dma_start3A_35 : memref<8192x256xf32, #tpu.memory_space<hbm>>) target(%arg6 : memref<128x256xf32, #tpu.memory_space<vmem>>) offsets(%arg5 : memref<128xi32, #tpu.memory_space<vmem>>) semaphore(%arg7 : memref<!tpu.dma_semaphore, #tpu.memory_space<semaphore_mem>>)
    %dma_wait3A_36 = arith.constant 0 : i32
    %dma_wait3A_37 = arith.constant 0 : i32
    %dma_wait3A_38 = tpu.memref_slice %arg2[%dma_wait3A_36, %dma_wait3A_37] : memref<8192x256xf32, #tpu.memory_space<hbm>> -> memref<8192x256xf32, #tpu.memory_space<hbm>>
    tpu.wait_indirect_dma semaphore(%arg7 : memref<!tpu.dma_semaphore, #tpu.memory_space<semaphore_mem>>) src(%dma_wait3A_38 : memref<8192x256xf32, #tpu.memory_space<hbm>>) dst(%arg6 : memref<128x256xf32, #tpu.memory_space<vmem>>)
    "tpu.region"() ({
      %run_scoped3A = tpu.sem_alloc : memref<!tpu.dma_semaphore, #tpu.memory_space<semaphore_mem>>
      %dma_start3A_39 = arith.constant 0 : i32
      %dma_start3A_40 = tpu.memref_slice %arg4[%add3A_32, %dma_start3A_39] : memref<16384x256xf32, #tpu.memory_space<hbm>> -> memref<128x256xf32, #tpu.memory_space<hbm>>
      %dma_start3A_41 = arith.constant 0 : i32
      %dma_start3A_42 = tpu.memref_slice %arg4[%add3A_32, %dma_start3A_41] : memref<16384x256xf32, #tpu.memory_space<hbm>> -> memref<128x256xf32, #tpu.memory_space<hbm>>
      tpu.enqueue_dma source(%arg6 : memref<128x256xf32, #tpu.memory_space<vmem>>) target(%dma_start3A_42 : memref<128x256xf32, #tpu.memory_space<hbm>>) target_semaphore(%run_scoped3A : memref<!tpu.dma_semaphore, #tpu.memory_space<semaphore_mem>>)
      %dma_wait3A_43 = arith.constant 0 : i32
      %dma_wait3A_44 = tpu.memref_slice %arg4[%add3A_32, %dma_wait3A_43] : memref<16384x256xf32, #tpu.memory_space<hbm>> -> memref<128x256xf32, #tpu.memory_space<hbm>>
      %dma_wait3A_45 = arith.constant 0 : i32
      %dma_wait3A_46 = tpu.memref_slice %arg4[%add3A_32, %dma_wait3A_45] : memref<16384x256xf32, #tpu.memory_space<hbm>> -> memref<128x256xf32, #tpu.memory_space<hbm>>
      tpu.wait_dma2 semaphore(%run_scoped3A : memref<!tpu.dma_semaphore, #tpu.memory_space<semaphore_mem>>) src(%arg6 : memref<128x256xf32, #tpu.memory_space<vmem>>) dst(%dma_wait3A_46 : memref<128x256xf32, #tpu.memory_space<hbm>>)
      tpu.yield
    }) : () -> ()
    return
  }
}

module attributes {stable_mosaic.version = 14 : i64} {
  func.func @_argmin_body(%arg0: i32, %arg1: memref<1024x1xf32, #tpu.memory_space<vmem>>, %arg2: memref<1x8192xf32, #tpu.memory_space<vmem>>, %arg3: memref<1024x256xbf16, #tpu.memory_space<vmem>>, %arg4: memref<256x8192xbf16, #tpu.memory_space<vmem>>, %arg5: memref<1024x1xi32, #tpu.memory_space<vmem>>, %arg6: memref<1x1xf32, #tpu.memory_space<vmem>>) attributes {dimension_semantics = [#tpu.dimension_semantics<arbitrary>], iteration_bounds = array<i64: 16>, scalar_prefetch = 0 : i64, scratch_operands = 0 : i64, tpu.core_type = #tpu.core_type<tc>, window_params = [{transform_indices = @transform_0, window_bounds = array<i64: 1024, 1>}, {pipeline_mode = #tpu.pipeline_mode<synchronous>, transform_indices = @transform_1, window_bounds = array<i64: 1, 8192>}, {transform_indices = @transform_2, window_bounds = array<i64: 1024, 256>}, {pipeline_mode = #tpu.pipeline_mode<synchronous>, transform_indices = @transform_3, window_bounds = array<i64: 256, 8192>}, {transform_indices = @transform_4, window_bounds = array<i64: 1024, 1>}, {pipeline_mode = #tpu.pipeline_mode<synchronous>, transform_indices = @transform_5, window_bounds = array<i64: 1, 1>}]} {
    %get3A = arith.constant 0 : index
    %get3A_0 = arith.constant 0 : index
    %get3A_1 = vector.load %arg3[%get3A, %get3A_0] : memref<1024x256xbf16, #tpu.memory_space<vmem>>, vector<1024x256xbf16>
    %get3A_2 = arith.constant 0 : index
    %get3A_3 = arith.constant 0 : index
    %get3A_4 = vector.load %arg1[%get3A_2, %get3A_3] : memref<1024x1xf32, #tpu.memory_space<vmem>>, vector<1024x1xf32>
    %get3A_5 = arith.constant 0 : index
    %get3A_6 = arith.constant 0 : index
    %get3A_7 = vector.load %arg4[%get3A_5, %get3A_6] : memref<256x8192xbf16, #tpu.memory_space<vmem>>, vector<256x1024xbf16>
    %get3A_8 = arith.constant 0 : index
    %get3A_9 = arith.constant 0 : index
    %get3A_10 = vector.load %arg2[%get3A_8, %get3A_9] : memref<1x8192xf32, #tpu.memory_space<vmem>>, vector<1x1024xf32>
    %dot_general3A = arith.constant dense<0.000000e+00> : vector<1024x1024xf32>
    %dot_general3A_11 = tpu.matmul %get3A_1, %get3A_7, %dot_general3A {dimension_numbers = #tpu.dot_dimension_numbers<[1], [0], [0], [1], [0, 0, 1, 1], [], []>, transpose_lhs_hint = false} : vector<1024x256xbf16>, vector<256x1024xbf16>, vector<1024x1024xf32> -> vector<1024x1024xf32>
    %add3A = vector.broadcast %get3A_4 : vector<1024x1xf32> to vector<1024x1024xf32>
    %add3A_12 = vector.broadcast %get3A_10 : vector<1x1024xf32> to vector<1024x1024xf32>
    %add3A_13 = arith.addf %add3A, %add3A_12 : vector<1024x1024xf32>
    %add3A_14 = arith.addf %add3A_13, %dot_general3A_11 : vector<1024x1024xf32>
    %iota3A = tpu.iota {dimensions = array<i32: 1>} : vector<1024x1024xi32>
    %add3A_15 = arith.constant 0 : i32
    %add3A_16 = vector.broadcast %add3A_15 : i32 to vector<1024x1024xi32>
    %add3A_17 = arith.addi %iota3A, %add3A_16 : vector<1024x1024xi32>
    %reduce_min3A = arith.constant dense<0x7F800000> : vector<1024xf32>
    %reduce_min3A_18 = vector.multi_reduction <minimumf>, %add3A_14, %reduce_min3A [1] : vector<1024x1024xf32> to vector<1024xf32>
    %broadcast_in_dim3A = vector.shape_cast %reduce_min3A_18 : vector<1024xf32> to vector<1024x1xf32>
    %eq3A = vector.broadcast %broadcast_in_dim3A : vector<1024x1xf32> to vector<1024x1024xf32>
    %eq3A_19 = arith.cmpf oeq, %add3A_14, %eq3A : vector<1024x1024xf32>
    %jit3A = arith.constant 8192 : i32
    %broadcast_in_dim3A_20 = vector.broadcast %jit3A : i32 to vector<1024x1024xi32>
    %select_n3A = arith.select %eq3A_19, %add3A_17, %broadcast_in_dim3A_20 : vector<1024x1024xi1>, vector<1024x1024xi32>
    %reduce_min3A_21 = arith.constant dense<2147483647> : vector<1024xi32>
    %reduce_min3A_22 = vector.multi_reduction <minsi>, %select_n3A, %reduce_min3A_21 [1] : vector<1024x1024xi32> to vector<1024xi32>
    %broadcast_in_dim3A_23 = vector.shape_cast %reduce_min3A_22 : vector<1024xi32> to vector<1024x1xi32>
    %get3A_24 = arith.constant 0 : index
    %get3A_25 = arith.constant 1024 : index
    %get3A_26 = vector.load %arg4[%get3A_24, %get3A_25] : memref<256x8192xbf16, #tpu.memory_space<vmem>>, vector<256x1024xbf16>
    %get3A_27 = arith.constant 0 : index
    %get3A_28 = arith.constant 1024 : index
    %get3A_29 = vector.load %arg2[%get3A_27, %get3A_28] : memref<1x8192xf32, #tpu.memory_space<vmem>>, vector<1x1024xf32>
    %dot_general3A_30 = arith.constant dense<0.000000e+00> : vector<1024x1024xf32>
    %dot_general3A_31 = tpu.matmul %get3A_1, %get3A_26, %dot_general3A_30 {dimension_numbers = #tpu.dot_dimension_numbers<[1], [0], [0], [1], [0, 0, 1, 1], [], []>, transpose_lhs_hint = false} : vector<1024x256xbf16>, vector<256x1024xbf16>, vector<1024x1024xf32> -> vector<1024x1024xf32>
    %add3A_32 = vector.broadcast %get3A_4 : vector<1024x1xf32> to vector<1024x1024xf32>
    %add3A_33 = vector.broadcast %get3A_29 : vector<1x1024xf32> to vector<1024x1024xf32>
    %add3A_34 = arith.addf %add3A_32, %add3A_33 : vector<1024x1024xf32>
    %add3A_35 = arith.addf %add3A_34, %dot_general3A_31 : vector<1024x1024xf32>
    %iota3A_36 = tpu.iota {dimensions = array<i32: 1>} : vector<1024x1024xi32>
    %add3A_37 = arith.constant 1024 : i32
    %add3A_38 = vector.broadcast %add3A_37 : i32 to vector<1024x1024xi32>
    %add3A_39 = arith.addi %iota3A_36, %add3A_38 : vector<1024x1024xi32>
    %reduce_min3A_40 = arith.constant dense<0x7F800000> : vector<1024xf32>
    %reduce_min3A_41 = vector.multi_reduction <minimumf>, %add3A_35, %reduce_min3A_40 [1] : vector<1024x1024xf32> to vector<1024xf32>
    %broadcast_in_dim3A_42 = vector.shape_cast %reduce_min3A_41 : vector<1024xf32> to vector<1024x1xf32>
    %eq3A_43 = vector.broadcast %broadcast_in_dim3A_42 : vector<1024x1xf32> to vector<1024x1024xf32>
    %eq3A_44 = arith.cmpf oeq, %add3A_35, %eq3A_43 : vector<1024x1024xf32>
    %jit3A_45 = arith.constant 8192 : i32
    %broadcast_in_dim3A_46 = vector.broadcast %jit3A_45 : i32 to vector<1024x1024xi32>
    %select_n3A_47 = arith.select %eq3A_44, %add3A_39, %broadcast_in_dim3A_46 : vector<1024x1024xi1>, vector<1024x1024xi32>
    %reduce_min3A_48 = arith.constant dense<2147483647> : vector<1024xi32>
    %reduce_min3A_49 = vector.multi_reduction <minsi>, %select_n3A_47, %reduce_min3A_48 [1] : vector<1024x1024xi32> to vector<1024xi32>
    %broadcast_in_dim3A_50 = vector.shape_cast %reduce_min3A_49 : vector<1024xi32> to vector<1024x1xi32>
    %lt3A = arith.cmpf olt, %broadcast_in_dim3A_42, %broadcast_in_dim3A : vector<1024x1xf32>
    %select_n3A_51 = arith.select %lt3A, %broadcast_in_dim3A_50, %broadcast_in_dim3A_23 : vector<1024x1xi1>, vector<1024x1xi32>
    %select_n3A_52 = arith.select %lt3A, %broadcast_in_dim3A_42, %broadcast_in_dim3A : vector<1024x1xi1>, vector<1024x1xf32>
    %get3A_53 = arith.constant 0 : index
    %get3A_54 = arith.constant 2048 : index
    %get3A_55 = vector.load %arg4[%get3A_53, %get3A_54] : memref<256x8192xbf16, #tpu.memory_space<vmem>>, vector<256x1024xbf16>
    %get3A_56 = arith.constant 0 : index
    %get3A_57 = arith.constant 2048 : index
    %get3A_58 = vector.load %arg2[%get3A_56, %get3A_57] : memref<1x8192xf32, #tpu.memory_space<vmem>>, vector<1x1024xf32>
    %dot_general3A_59 = arith.constant dense<0.000000e+00> : vector<1024x1024xf32>
    %dot_general3A_60 = tpu.matmul %get3A_1, %get3A_55, %dot_general3A_59 {dimension_numbers = #tpu.dot_dimension_numbers<[1], [0], [0], [1], [0, 0, 1, 1], [], []>, transpose_lhs_hint = false} : vector<1024x256xbf16>, vector<256x1024xbf16>, vector<1024x1024xf32> -> vector<1024x1024xf32>
    %add3A_61 = vector.broadcast %get3A_4 : vector<1024x1xf32> to vector<1024x1024xf32>
    %add3A_62 = vector.broadcast %get3A_58 : vector<1x1024xf32> to vector<1024x1024xf32>
    %add3A_63 = arith.addf %add3A_61, %add3A_62 : vector<1024x1024xf32>
    %add3A_64 = arith.addf %add3A_63, %dot_general3A_60 : vector<1024x1024xf32>
    %iota3A_65 = tpu.iota {dimensions = array<i32: 1>} : vector<1024x1024xi32>
    %add3A_66 = arith.constant 2048 : i32
    %add3A_67 = vector.broadcast %add3A_66 : i32 to vector<1024x1024xi32>
    %add3A_68 = arith.addi %iota3A_65, %add3A_67 : vector<1024x1024xi32>
    %ge3A = arith.constant 2048 : i32
    %ge3A_69 = vector.broadcast %ge3A : i32 to vector<1024x1024xi32>
    %ge3A_70 = arith.cmpi sge, %add3A_68, %ge3A_69 : vector<1024x1024xi32>
    %lt3A_71 = arith.constant 2736 : i32
    %lt3A_72 = vector.broadcast %lt3A_71 : i32 to vector<1024x1024xi32>
    %lt3A_73 = arith.cmpi slt, %add3A_68, %lt3A_72 : vector<1024x1024xi32>
    %and3A = arith.andi %ge3A_70, %lt3A_73 : vector<1024x1024xi1>
    %jit3A_74 = arith.constant 0x7F800000 : f32
    %broadcast_in_dim3A_75 = vector.broadcast %jit3A_74 : f32 to vector<1024x1024xf32>
    %select_n3A_76 = arith.select %and3A, %add3A_64, %broadcast_in_dim3A_75 : vector<1024x1024xi1>, vector<1024x1024xf32>
    %reduce_min3A_77 = arith.constant dense<0x7F800000> : vector<1024xf32>
    %reduce_min3A_78 = vector.multi_reduction <minimumf>, %select_n3A_76, %reduce_min3A_77 [1] : vector<1024x1024xf32> to vector<1024xf32>
    %broadcast_in_dim3A_79 = vector.shape_cast %reduce_min3A_78 : vector<1024xf32> to vector<1024x1xf32>
    %eq3A_80 = vector.broadcast %broadcast_in_dim3A_79 : vector<1024x1xf32> to vector<1024x1024xf32>
    %eq3A_81 = arith.cmpf oeq, %select_n3A_76, %eq3A_80 : vector<1024x1024xf32>
    %jit3A_82 = arith.constant 8192 : i32
    %broadcast_in_dim3A_83 = vector.broadcast %jit3A_82 : i32 to vector<1024x1024xi32>
    %select_n3A_84 = arith.select %eq3A_81, %add3A_68, %broadcast_in_dim3A_83 : vector<1024x1024xi1>, vector<1024x1024xi32>
    %reduce_min3A_85 = arith.constant dense<2147483647> : vector<1024xi32>
    %reduce_min3A_86 = vector.multi_reduction <minsi>, %select_n3A_84, %reduce_min3A_85 [1] : vector<1024x1024xi32> to vector<1024xi32>
    %broadcast_in_dim3A_87 = vector.shape_cast %reduce_min3A_86 : vector<1024xi32> to vector<1024x1xi32>
    %lt3A_88 = arith.cmpf olt, %broadcast_in_dim3A_79, %select_n3A_52 : vector<1024x1xf32>
    %select_n3A_89 = arith.select %lt3A_88, %broadcast_in_dim3A_87, %select_n3A_51 : vector<1024x1xi1>, vector<1024x1xi32>
    %select_n3A_90 = arith.select %lt3A_88, %broadcast_in_dim3A_79, %select_n3A_52 : vector<1024x1xi1>, vector<1024x1xf32>
    %ge3A_91 = arith.constant 2736 : i32
    %ge3A_92 = vector.broadcast %ge3A_91 : i32 to vector<1024x1024xi32>
    %ge3A_93 = arith.cmpi sge, %add3A_68, %ge3A_92 : vector<1024x1024xi32>
    %lt3A_94 = arith.constant 3072 : i32
    %lt3A_95 = vector.broadcast %lt3A_94 : i32 to vector<1024x1024xi32>
    %lt3A_96 = arith.cmpi slt, %add3A_68, %lt3A_95 : vector<1024x1024xi32>
    %and3A_97 = arith.andi %ge3A_93, %lt3A_96 : vector<1024x1024xi1>
    %jit3A_98 = arith.constant 0x7F800000 : f32
    %broadcast_in_dim3A_99 = vector.broadcast %jit3A_98 : f32 to vector<1024x1024xf32>
    %select_n3A_100 = arith.select %and3A_97, %add3A_64, %broadcast_in_dim3A_99 : vector<1024x1024xi1>, vector<1024x1024xf32>
    %reduce_min3A_101 = arith.constant dense<0x7F800000> : vector<1024xf32>
    %reduce_min3A_102 = vector.multi_reduction <minimumf>, %select_n3A_100, %reduce_min3A_101 [1] : vector<1024x1024xf32> to vector<1024xf32>
    %broadcast_in_dim3A_103 = vector.shape_cast %reduce_min3A_102 : vector<1024xf32> to vector<1024x1xf32>
    %eq3A_104 = vector.broadcast %broadcast_in_dim3A_103 : vector<1024x1xf32> to vector<1024x1024xf32>
    %eq3A_105 = arith.cmpf oeq, %select_n3A_100, %eq3A_104 : vector<1024x1024xf32>
    %jit3A_106 = arith.constant 8192 : i32
    %broadcast_in_dim3A_107 = vector.broadcast %jit3A_106 : i32 to vector<1024x1024xi32>
    %select_n3A_108 = arith.select %eq3A_105, %add3A_68, %broadcast_in_dim3A_107 : vector<1024x1024xi1>, vector<1024x1024xi32>
    %reduce_min3A_109 = arith.constant dense<2147483647> : vector<1024xi32>
    %reduce_min3A_110 = vector.multi_reduction <minsi>, %select_n3A_108, %reduce_min3A_109 [1] : vector<1024x1024xi32> to vector<1024xi32>
    %broadcast_in_dim3A_111 = vector.shape_cast %reduce_min3A_110 : vector<1024xi32> to vector<1024x1xi32>
    %get3A_112 = arith.constant 0 : index
    %get3A_113 = arith.constant 3072 : index
    %get3A_114 = vector.load %arg4[%get3A_112, %get3A_113] : memref<256x8192xbf16, #tpu.memory_space<vmem>>, vector<256x1024xbf16>
    %get3A_115 = arith.constant 0 : index
    %get3A_116 = arith.constant 3072 : index
    %get3A_117 = vector.load %arg2[%get3A_115, %get3A_116] : memref<1x8192xf32, #tpu.memory_space<vmem>>, vector<1x1024xf32>
    %dot_general3A_118 = arith.constant dense<0.000000e+00> : vector<1024x1024xf32>
    %dot_general3A_119 = tpu.matmul %get3A_1, %get3A_114, %dot_general3A_118 {dimension_numbers = #tpu.dot_dimension_numbers<[1], [0], [0], [1], [0, 0, 1, 1], [], []>, transpose_lhs_hint = false} : vector<1024x256xbf16>, vector<256x1024xbf16>, vector<1024x1024xf32> -> vector<1024x1024xf32>
    %add3A_120 = vector.broadcast %get3A_4 : vector<1024x1xf32> to vector<1024x1024xf32>
    %add3A_121 = vector.broadcast %get3A_117 : vector<1x1024xf32> to vector<1024x1024xf32>
    %add3A_122 = arith.addf %add3A_120, %add3A_121 : vector<1024x1024xf32>
    %add3A_123 = arith.addf %add3A_122, %dot_general3A_119 : vector<1024x1024xf32>
    %iota3A_124 = tpu.iota {dimensions = array<i32: 1>} : vector<1024x1024xi32>
    %add3A_125 = arith.constant 3072 : i32
    %add3A_126 = vector.broadcast %add3A_125 : i32 to vector<1024x1024xi32>
    %add3A_127 = arith.addi %iota3A_124, %add3A_126 : vector<1024x1024xi32>
    %reduce_min3A_128 = arith.constant dense<0x7F800000> : vector<1024xf32>
    %reduce_min3A_129 = vector.multi_reduction <minimumf>, %add3A_123, %reduce_min3A_128 [1] : vector<1024x1024xf32> to vector<1024xf32>
    %broadcast_in_dim3A_130 = vector.shape_cast %reduce_min3A_129 : vector<1024xf32> to vector<1024x1xf32>
    %eq3A_131 = vector.broadcast %broadcast_in_dim3A_130 : vector<1024x1xf32> to vector<1024x1024xf32>
    %eq3A_132 = arith.cmpf oeq, %add3A_123, %eq3A_131 : vector<1024x1024xf32>
    %jit3A_133 = arith.constant 8192 : i32
    %broadcast_in_dim3A_134 = vector.broadcast %jit3A_133 : i32 to vector<1024x1024xi32>
    %select_n3A_135 = arith.select %eq3A_132, %add3A_127, %broadcast_in_dim3A_134 : vector<1024x1024xi1>, vector<1024x1024xi32>
    %reduce_min3A_136 = arith.constant dense<2147483647> : vector<1024xi32>
    %reduce_min3A_137 = vector.multi_reduction <minsi>, %select_n3A_135, %reduce_min3A_136 [1] : vector<1024x1024xi32> to vector<1024xi32>
    %broadcast_in_dim3A_138 = vector.shape_cast %reduce_min3A_137 : vector<1024xi32> to vector<1024x1xi32>
    %lt3A_139 = arith.cmpf olt, %broadcast_in_dim3A_130, %broadcast_in_dim3A_103 : vector<1024x1xf32>
    %select_n3A_140 = arith.select %lt3A_139, %broadcast_in_dim3A_138, %broadcast_in_dim3A_111 : vector<1024x1xi1>, vector<1024x1xi32>
    %select_n3A_141 = arith.select %lt3A_139, %broadcast_in_dim3A_130, %broadcast_in_dim3A_103 : vector<1024x1xi1>, vector<1024x1xf32>
    %get3A_142 = arith.constant 0 : index
    %get3A_143 = arith.constant 4096 : index
    %get3A_144 = vector.load %arg4[%get3A_142, %get3A_143] : memref<256x8192xbf16, #tpu.memory_space<vmem>>, vector<256x1024xbf16>
    %get3A_145 = arith.constant 0 : index
    %get3A_146 = arith.constant 4096 : index
    %get3A_147 = vector.load %arg2[%get3A_145, %get3A_146] : memref<1x8192xf32, #tpu.memory_space<vmem>>, vector<1x1024xf32>
    %dot_general3A_148 = arith.constant dense<0.000000e+00> : vector<1024x1024xf32>
    %dot_general3A_149 = tpu.matmul %get3A_1, %get3A_144, %dot_general3A_148 {dimension_numbers = #tpu.dot_dimension_numbers<[1], [0], [0], [1], [0, 0, 1, 1], [], []>, transpose_lhs_hint = false} : vector<1024x256xbf16>, vector<256x1024xbf16>, vector<1024x1024xf32> -> vector<1024x1024xf32>
    %add3A_150 = vector.broadcast %get3A_4 : vector<1024x1xf32> to vector<1024x1024xf32>
    %add3A_151 = vector.broadcast %get3A_147 : vector<1x1024xf32> to vector<1024x1024xf32>
    %add3A_152 = arith.addf %add3A_150, %add3A_151 : vector<1024x1024xf32>
    %add3A_153 = arith.addf %add3A_152, %dot_general3A_149 : vector<1024x1024xf32>
    %iota3A_154 = tpu.iota {dimensions = array<i32: 1>} : vector<1024x1024xi32>
    %add3A_155 = arith.constant 4096 : i32
    %add3A_156 = vector.broadcast %add3A_155 : i32 to vector<1024x1024xi32>
    %add3A_157 = arith.addi %iota3A_154, %add3A_156 : vector<1024x1024xi32>
    %reduce_min3A_158 = arith.constant dense<0x7F800000> : vector<1024xf32>
    %reduce_min3A_159 = vector.multi_reduction <minimumf>, %add3A_153, %reduce_min3A_158 [1] : vector<1024x1024xf32> to vector<1024xf32>
    %broadcast_in_dim3A_160 = vector.shape_cast %reduce_min3A_159 : vector<1024xf32> to vector<1024x1xf32>
    %eq3A_161 = vector.broadcast %broadcast_in_dim3A_160 : vector<1024x1xf32> to vector<1024x1024xf32>
    %eq3A_162 = arith.cmpf oeq, %add3A_153, %eq3A_161 : vector<1024x1024xf32>
    %jit3A_163 = arith.constant 8192 : i32
    %broadcast_in_dim3A_164 = vector.broadcast %jit3A_163 : i32 to vector<1024x1024xi32>
    %select_n3A_165 = arith.select %eq3A_162, %add3A_157, %broadcast_in_dim3A_164 : vector<1024x1024xi1>, vector<1024x1024xi32>
    %reduce_min3A_166 = arith.constant dense<2147483647> : vector<1024xi32>
    %reduce_min3A_167 = vector.multi_reduction <minsi>, %select_n3A_165, %reduce_min3A_166 [1] : vector<1024x1024xi32> to vector<1024xi32>
    %broadcast_in_dim3A_168 = vector.shape_cast %reduce_min3A_167 : vector<1024xi32> to vector<1024x1xi32>
    %lt3A_169 = arith.cmpf olt, %broadcast_in_dim3A_160, %select_n3A_141 : vector<1024x1xf32>
    %select_n3A_170 = arith.select %lt3A_169, %broadcast_in_dim3A_168, %select_n3A_140 : vector<1024x1xi1>, vector<1024x1xi32>
    %select_n3A_171 = arith.select %lt3A_169, %broadcast_in_dim3A_160, %select_n3A_141 : vector<1024x1xi1>, vector<1024x1xf32>
    %get3A_172 = arith.constant 0 : index
    %get3A_173 = arith.constant 5120 : index
    %get3A_174 = vector.load %arg4[%get3A_172, %get3A_173] : memref<256x8192xbf16, #tpu.memory_space<vmem>>, vector<256x1024xbf16>
    %get3A_175 = arith.constant 0 : index
    %get3A_176 = arith.constant 5120 : index
    %get3A_177 = vector.load %arg2[%get3A_175, %get3A_176] : memref<1x8192xf32, #tpu.memory_space<vmem>>, vector<1x1024xf32>
    %dot_general3A_178 = arith.constant dense<0.000000e+00> : vector<1024x1024xf32>
    %dot_general3A_179 = tpu.matmul %get3A_1, %get3A_174, %dot_general3A_178 {dimension_numbers = #tpu.dot_dimension_numbers<[1], [0], [0], [1], [0, 0, 1, 1], [], []>, transpose_lhs_hint = false} : vector<1024x256xbf16>, vector<256x1024xbf16>, vector<1024x1024xf32> -> vector<1024x1024xf32>
    %add3A_180 = vector.broadcast %get3A_4 : vector<1024x1xf32> to vector<1024x1024xf32>
    %add3A_181 = vector.broadcast %get3A_177 : vector<1x1024xf32> to vector<1024x1024xf32>
    %add3A_182 = arith.addf %add3A_180, %add3A_181 : vector<1024x1024xf32>
    %add3A_183 = arith.addf %add3A_182, %dot_general3A_179 : vector<1024x1024xf32>
    %iota3A_184 = tpu.iota {dimensions = array<i32: 1>} : vector<1024x1024xi32>
    %add3A_185 = arith.constant 5120 : i32
    %add3A_186 = vector.broadcast %add3A_185 : i32 to vector<1024x1024xi32>
    %add3A_187 = arith.addi %iota3A_184, %add3A_186 : vector<1024x1024xi32>
    %ge3A_188 = arith.constant 5120 : i32
    %ge3A_189 = vector.broadcast %ge3A_188 : i32 to vector<1024x1024xi32>
    %ge3A_190 = arith.cmpi sge, %add3A_187, %ge3A_189 : vector<1024x1024xi32>
    %lt3A_191 = arith.constant 5472 : i32
    %lt3A_192 = vector.broadcast %lt3A_191 : i32 to vector<1024x1024xi32>
    %lt3A_193 = arith.cmpi slt, %add3A_187, %lt3A_192 : vector<1024x1024xi32>
    %and3A_194 = arith.andi %ge3A_190, %lt3A_193 : vector<1024x1024xi1>
    %jit3A_195 = arith.constant 0x7F800000 : f32
    %broadcast_in_dim3A_196 = vector.broadcast %jit3A_195 : f32 to vector<1024x1024xf32>
    %select_n3A_197 = arith.select %and3A_194, %add3A_183, %broadcast_in_dim3A_196 : vector<1024x1024xi1>, vector<1024x1024xf32>
    %reduce_min3A_198 = arith.constant dense<0x7F800000> : vector<1024xf32>
    %reduce_min3A_199 = vector.multi_reduction <minimumf>, %select_n3A_197, %reduce_min3A_198 [1] : vector<1024x1024xf32> to vector<1024xf32>
    %broadcast_in_dim3A_200 = vector.shape_cast %reduce_min3A_199 : vector<1024xf32> to vector<1024x1xf32>
    %eq3A_201 = vector.broadcast %broadcast_in_dim3A_200 : vector<1024x1xf32> to vector<1024x1024xf32>
    %eq3A_202 = arith.cmpf oeq, %select_n3A_197, %eq3A_201 : vector<1024x1024xf32>
    %jit3A_203 = arith.constant 8192 : i32
    %broadcast_in_dim3A_204 = vector.broadcast %jit3A_203 : i32 to vector<1024x1024xi32>
    %select_n3A_205 = arith.select %eq3A_202, %add3A_187, %broadcast_in_dim3A_204 : vector<1024x1024xi1>, vector<1024x1024xi32>
    %reduce_min3A_206 = arith.constant dense<2147483647> : vector<1024xi32>
    %reduce_min3A_207 = vector.multi_reduction <minsi>, %select_n3A_205, %reduce_min3A_206 [1] : vector<1024x1024xi32> to vector<1024xi32>
    %broadcast_in_dim3A_208 = vector.shape_cast %reduce_min3A_207 : vector<1024xi32> to vector<1024x1xi32>
    %lt3A_209 = arith.cmpf olt, %broadcast_in_dim3A_200, %select_n3A_171 : vector<1024x1xf32>
    %select_n3A_210 = arith.select %lt3A_209, %broadcast_in_dim3A_208, %select_n3A_170 : vector<1024x1xi1>, vector<1024x1xi32>
    %select_n3A_211 = arith.select %lt3A_209, %broadcast_in_dim3A_200, %select_n3A_171 : vector<1024x1xi1>, vector<1024x1xf32>
    %ge3A_212 = arith.constant 5472 : i32
    %ge3A_213 = vector.broadcast %ge3A_212 : i32 to vector<1024x1024xi32>
    %ge3A_214 = arith.cmpi sge, %add3A_187, %ge3A_213 : vector<1024x1024xi32>
    %lt3A_215 = arith.constant 6144 : i32
    %lt3A_216 = vector.broadcast %lt3A_215 : i32 to vector<1024x1024xi32>
    %lt3A_217 = arith.cmpi slt, %add3A_187, %lt3A_216 : vector<1024x1024xi32>
    %and3A_218 = arith.andi %ge3A_214, %lt3A_217 : vector<1024x1024xi1>
    %jit3A_219 = arith.constant 0x7F800000 : f32
    %broadcast_in_dim3A_220 = vector.broadcast %jit3A_219 : f32 to vector<1024x1024xf32>
    %select_n3A_221 = arith.select %and3A_218, %add3A_183, %broadcast_in_dim3A_220 : vector<1024x1024xi1>, vector<1024x1024xf32>
    %reduce_min3A_222 = arith.constant dense<0x7F800000> : vector<1024xf32>
    %reduce_min3A_223 = vector.multi_reduction <minimumf>, %select_n3A_221, %reduce_min3A_222 [1] : vector<1024x1024xf32> to vector<1024xf32>
    %broadcast_in_dim3A_224 = vector.shape_cast %reduce_min3A_223 : vector<1024xf32> to vector<1024x1xf32>
    %eq3A_225 = vector.broadcast %broadcast_in_dim3A_224 : vector<1024x1xf32> to vector<1024x1024xf32>
    %eq3A_226 = arith.cmpf oeq, %select_n3A_221, %eq3A_225 : vector<1024x1024xf32>
    %jit3A_227 = arith.constant 8192 : i32
    %broadcast_in_dim3A_228 = vector.broadcast %jit3A_227 : i32 to vector<1024x1024xi32>
    %select_n3A_229 = arith.select %eq3A_226, %add3A_187, %broadcast_in_dim3A_228 : vector<1024x1024xi1>, vector<1024x1024xi32>
    %reduce_min3A_230 = arith.constant dense<2147483647> : vector<1024xi32>
    %reduce_min3A_231 = vector.multi_reduction <minsi>, %select_n3A_229, %reduce_min3A_230 [1] : vector<1024x1024xi32> to vector<1024xi32>
    %broadcast_in_dim3A_232 = vector.shape_cast %reduce_min3A_231 : vector<1024xi32> to vector<1024x1xi32>
    %get3A_233 = arith.constant 0 : index
    %get3A_234 = arith.constant 6144 : index
    %get3A_235 = vector.load %arg4[%get3A_233, %get3A_234] : memref<256x8192xbf16, #tpu.memory_space<vmem>>, vector<256x1024xbf16>
    %get3A_236 = arith.constant 0 : index
    %get3A_237 = arith.constant 6144 : index
    %get3A_238 = vector.load %arg2[%get3A_236, %get3A_237] : memref<1x8192xf32, #tpu.memory_space<vmem>>, vector<1x1024xf32>
    %dot_general3A_239 = arith.constant dense<0.000000e+00> : vector<1024x1024xf32>
    %dot_general3A_240 = tpu.matmul %get3A_1, %get3A_235, %dot_general3A_239 {dimension_numbers = #tpu.dot_dimension_numbers<[1], [0], [0], [1], [0, 0, 1, 1], [], []>, transpose_lhs_hint = false} : vector<1024x256xbf16>, vector<256x1024xbf16>, vector<1024x1024xf32> -> vector<1024x1024xf32>
    %add3A_241 = vector.broadcast %get3A_4 : vector<1024x1xf32> to vector<1024x1024xf32>
    %add3A_242 = vector.broadcast %get3A_238 : vector<1x1024xf32> to vector<1024x1024xf32>
    %add3A_243 = arith.addf %add3A_241, %add3A_242 : vector<1024x1024xf32>
    %add3A_244 = arith.addf %add3A_243, %dot_general3A_240 : vector<1024x1024xf32>
    %iota3A_245 = tpu.iota {dimensions = array<i32: 1>} : vector<1024x1024xi32>
    %add3A_246 = arith.constant 6144 : i32
    %add3A_247 = vector.broadcast %add3A_246 : i32 to vector<1024x1024xi32>
    %add3A_248 = arith.addi %iota3A_245, %add3A_247 : vector<1024x1024xi32>
    %reduce_min3A_249 = arith.constant dense<0x7F800000> : vector<1024xf32>
    %reduce_min3A_250 = vector.multi_reduction <minimumf>, %add3A_244, %reduce_min3A_249 [1] : vector<1024x1024xf32> to vector<1024xf32>
    %broadcast_in_dim3A_251 = vector.shape_cast %reduce_min3A_250 : vector<1024xf32> to vector<1024x1xf32>
    %eq3A_252 = vector.broadcast %broadcast_in_dim3A_251 : vector<1024x1xf32> to vector<1024x1024xf32>
    %eq3A_253 = arith.cmpf oeq, %add3A_244, %eq3A_252 : vector<1024x1024xf32>
    %jit3A_254 = arith.constant 8192 : i32
    %broadcast_in_dim3A_255 = vector.broadcast %jit3A_254 : i32 to vector<1024x1024xi32>
    %select_n3A_256 = arith.select %eq3A_253, %add3A_248, %broadcast_in_dim3A_255 : vector<1024x1024xi1>, vector<1024x1024xi32>
    %reduce_min3A_257 = arith.constant dense<2147483647> : vector<1024xi32>
    %reduce_min3A_258 = vector.multi_reduction <minsi>, %select_n3A_256, %reduce_min3A_257 [1] : vector<1024x1024xi32> to vector<1024xi32>
    %broadcast_in_dim3A_259 = vector.shape_cast %reduce_min3A_258 : vector<1024xi32> to vector<1024x1xi32>
    %lt3A_260 = arith.cmpf olt, %broadcast_in_dim3A_251, %broadcast_in_dim3A_224 : vector<1024x1xf32>
    %select_n3A_261 = arith.select %lt3A_260, %broadcast_in_dim3A_259, %broadcast_in_dim3A_232 : vector<1024x1xi1>, vector<1024x1xi32>
    %select_n3A_262 = arith.select %lt3A_260, %broadcast_in_dim3A_251, %broadcast_in_dim3A_224 : vector<1024x1xi1>, vector<1024x1xf32>
    %get3A_263 = arith.constant 0 : index
    %get3A_264 = arith.constant 7168 : index
    %get3A_265 = vector.load %arg4[%get3A_263, %get3A_264] : memref<256x8192xbf16, #tpu.memory_space<vmem>>, vector<256x1024xbf16>
    %get3A_266 = arith.constant 0 : index
    %get3A_267 = arith.constant 7168 : index
    %get3A_268 = vector.load %arg2[%get3A_266, %get3A_267] : memref<1x8192xf32, #tpu.memory_space<vmem>>, vector<1x1024xf32>
    %dot_general3A_269 = arith.constant dense<0.000000e+00> : vector<1024x1024xf32>
    %dot_general3A_270 = tpu.matmul %get3A_1, %get3A_265, %dot_general3A_269 {dimension_numbers = #tpu.dot_dimension_numbers<[1], [0], [0], [1], [0, 0, 1, 1], [], []>, transpose_lhs_hint = false} : vector<1024x256xbf16>, vector<256x1024xbf16>, vector<1024x1024xf32> -> vector<1024x1024xf32>
    %add3A_271 = vector.broadcast %get3A_4 : vector<1024x1xf32> to vector<1024x1024xf32>
    %add3A_272 = vector.broadcast %get3A_268 : vector<1x1024xf32> to vector<1024x1024xf32>
    %add3A_273 = arith.addf %add3A_271, %add3A_272 : vector<1024x1024xf32>
    %add3A_274 = arith.addf %add3A_273, %dot_general3A_270 : vector<1024x1024xf32>
    %iota3A_275 = tpu.iota {dimensions = array<i32: 1>} : vector<1024x1024xi32>
    %add3A_276 = arith.constant 7168 : i32
    %add3A_277 = vector.broadcast %add3A_276 : i32 to vector<1024x1024xi32>
    %add3A_278 = arith.addi %iota3A_275, %add3A_277 : vector<1024x1024xi32>
    %reduce_min3A_279 = arith.constant dense<0x7F800000> : vector<1024xf32>
    %reduce_min3A_280 = vector.multi_reduction <minimumf>, %add3A_274, %reduce_min3A_279 [1] : vector<1024x1024xf32> to vector<1024xf32>
    %broadcast_in_dim3A_281 = vector.shape_cast %reduce_min3A_280 : vector<1024xf32> to vector<1024x1xf32>
    %eq3A_282 = vector.broadcast %broadcast_in_dim3A_281 : vector<1024x1xf32> to vector<1024x1024xf32>
    %eq3A_283 = arith.cmpf oeq, %add3A_274, %eq3A_282 : vector<1024x1024xf32>
    %jit3A_284 = arith.constant 8192 : i32
    %broadcast_in_dim3A_285 = vector.broadcast %jit3A_284 : i32 to vector<1024x1024xi32>
    %select_n3A_286 = arith.select %eq3A_283, %add3A_278, %broadcast_in_dim3A_285 : vector<1024x1024xi1>, vector<1024x1024xi32>
    %reduce_min3A_287 = arith.constant dense<2147483647> : vector<1024xi32>
    %reduce_min3A_288 = vector.multi_reduction <minsi>, %select_n3A_286, %reduce_min3A_287 [1] : vector<1024x1024xi32> to vector<1024xi32>
    %broadcast_in_dim3A_289 = vector.shape_cast %reduce_min3A_288 : vector<1024xi32> to vector<1024x1xi32>
    %lt3A_290 = arith.cmpf olt, %broadcast_in_dim3A_281, %select_n3A_262 : vector<1024x1xf32>
    %select_n3A_291 = arith.select %lt3A_290, %broadcast_in_dim3A_289, %select_n3A_261 : vector<1024x1xi1>, vector<1024x1xi32>
    %select_n3A_292 = arith.select %lt3A_290, %broadcast_in_dim3A_281, %select_n3A_262 : vector<1024x1xi1>, vector<1024x1xf32>
    %convert_element_type3A = arith.truncf %select_n3A_90 : vector<1024x1xf32> to vector<1024x1xbf16>
    %convert_element_type3A_293 = arith.extf %convert_element_type3A : vector<1024x1xbf16> to vector<1024x1xf32>
    %lt3A_294 = arith.cmpf olt, %select_n3A_211, %convert_element_type3A_293 : vector<1024x1xf32>
    %select_n3A_295 = arith.select %lt3A_294, %select_n3A_210, %select_n3A_89 : vector<1024x1xi1>, vector<1024x1xi32>
    %select_n3A_296 = arith.select %lt3A_294, %select_n3A_211, %select_n3A_90 : vector<1024x1xi1>, vector<1024x1xf32>
    %select_n3A_297 = arith.select %lt3A_294, %select_n3A_211, %convert_element_type3A_293 : vector<1024x1xi1>, vector<1024x1xf32>
    %convert_element_type3A_298 = arith.truncf %select_n3A_297 : vector<1024x1xf32> to vector<1024x1xbf16>
    %convert_element_type3A_299 = arith.extf %convert_element_type3A_298 : vector<1024x1xbf16> to vector<1024x1xf32>
    %lt3A_300 = arith.cmpf olt, %select_n3A_292, %convert_element_type3A_299 : vector<1024x1xf32>
    %select_n3A_301 = arith.select %lt3A_300, %select_n3A_291, %select_n3A_295 : vector<1024x1xi1>, vector<1024x1xi32>
    %select_n3A_302 = arith.select %lt3A_300, %select_n3A_292, %select_n3A_296 : vector<1024x1xi1>, vector<1024x1xf32>
    %swap3A = arith.constant 0 : index
    %swap3A_303 = arith.constant 0 : index
    %swap3A_304 = vector.load %arg5[%swap3A, %swap3A_303] : memref<1024x1xi32, #tpu.memory_space<vmem>>, vector<1024x1xi32>
    tpu.vector_store %arg5[%swap3A, %swap3A_303], %select_n3A_301 {strides = array<i32>} : memref<1024x1xi32, #tpu.memory_space<vmem>>, vector<1024x1xi32>,
    %eq3A_305 = arith.constant 0 : i32
    %eq3A_306 = arith.cmpi eq, %arg0, %eq3A_305 : i32
    %convert_element_type3A_307 = arith.extui %eq3A_306 : i1 to i32
    %cond3A = arith.constant 0 : i32
    %cond3A_308 = arith.cmpi ne, %convert_element_type3A_307, %cond3A : i32
    scf.if %cond3A_308 {
      %broadcast_in_dim3A_326 = arith.constant 0.000000e+00 : f32
      %broadcast_in_dim3A_327 = vector.broadcast %broadcast_in_dim3A_326 : f32 to vector<1x1xf32>
      %swap3A_328 = arith.constant 0 : index
      %swap3A_329 = arith.constant 0 : index
      %swap3A_330 = vector.load %arg6[%swap3A_328, %swap3A_329] : memref<1x1xf32, #tpu.memory_space<vmem>>, vector<1x1xf32>
      tpu.vector_store %arg6[%swap3A_328, %swap3A_329], %broadcast_in_dim3A_327 {strides = array<i32>} : memref<1x1xf32, #tpu.memory_space<vmem>>, vector<1x1xf32>,
    } else {
    }
    %get3A_309 = arith.constant 0 : index
    %get3A_310 = arith.constant 0 : index
    %get3A_311 = vector.load %arg6[%get3A_309, %get3A_310] : memref<1x1xf32, #tpu.memory_space<vmem>>, vector<1x1xf32>
    %reduce_sum3A = vector.shape_cast %select_n3A_302 : vector<1024x1xf32> to vector<1x1024x1xf32>
    %reduce_sum3A_312 = arith.constant dense<0.000000e+00> : vector<1xf32>
    %reduce_sum3A_313 = vector.multi_reduction <add>, %reduce_sum3A, %reduce_sum3A_312 [1, 2] : vector<1x1024x1xf32> to vector<1xf32>
    %reduce_sum3A_314 = vector.shape_cast %reduce_sum3A_313 : vector<1xf32> to vector<1x1x1xf32>
    %reduce_sum3A_315 = vector.extract %reduce_sum3A_314[0, 0, 0] : f32 from vector<1x1x1xf32>
    %broadcast_in_dim3A_316 = vector.broadcast %reduce_sum3A_315 : f32 to vector<1x1xf32>
    %add3A_317 = arith.addf %get3A_311, %broadcast_in_dim3A_316 : vector<1x1xf32>
    %swap3A_318 = arith.constant 0 : index
    %swap3A_319 = arith.constant 0 : index
    %swap3A_320 = vector.load %arg6[%swap3A_318, %swap3A_319] : memref<1x1xf32, #tpu.memory_space<vmem>>, vector<1x1xf32>
    tpu.vector_store %arg6[%swap3A_318, %swap3A_319], %add3A_317 {strides = array<i32>} : memref<1x1xf32, #tpu.memory_space<vmem>>, vector<1x1xf32>,
    %eq3A_321 = arith.constant 15 : i32
    %eq3A_322 = arith.cmpi eq, %arg0, %eq3A_321 : i32
    %convert_element_type3A_323 = arith.extui %eq3A_322 : i1 to i32
    %cond3A_324 = arith.constant 0 : i32
    %cond3A_325 = arith.cmpi ne, %convert_element_type3A_323, %cond3A_324 : i32
    scf.if %cond3A_325 {
      %get3A_326 = arith.constant 0 : index
      %get3A_327 = arith.constant 0 : index
      %get3A_328 = vector.load %arg6[%get3A_326, %get3A_327] : memref<1x1xf32, #tpu.memory_space<vmem>>, vector<1x1xf32>
      %mul3A = arith.constant 5.96046448E-8 : f32
      %mul3A_329 = vector.broadcast %mul3A : f32 to vector<1x1xf32>
      %mul3A_330 = arith.mulf %get3A_328, %mul3A_329 : vector<1x1xf32>
      %swap3A_331 = arith.constant 0 : index
      %swap3A_332 = arith.constant 0 : index
      %swap3A_333 = vector.load %arg6[%swap3A_331, %swap3A_332] : memref<1x1xf32, #tpu.memory_space<vmem>>, vector<1x1xf32>
      tpu.vector_store %arg6[%swap3A_331, %swap3A_332], %mul3A_330 {strides = array<i32>} : memref<1x1xf32, #tpu.memory_space<vmem>>, vector<1x1xf32>,
    } else {
    }
    return
  }
  func.func @transform_0(%arg0: i32) -> (i32, i32) {
    %c0_i32 = arith.constant 0 : i32
    %c0_i32_0 = arith.constant 0 : i32
    return %arg0, %c0_i32 : i32, i32
  }
  func.func @transform_1(%arg0: i32) -> (i32, i32) {
    %c0_i32 = arith.constant 0 : i32
    %c0_i32_0 = arith.constant 0 : i32
    %c0_i32_1 = arith.constant 0 : i32
    return %c0_i32, %c0_i32_0 : i32, i32
  }
  func.func @transform_2(%arg0: i32) -> (i32, i32) {
    %c0_i32 = arith.constant 0 : i32
    %c0_i32_0 = arith.constant 0 : i32
    return %arg0, %c0_i32 : i32, i32
  }
  func.func @transform_3(%arg0: i32) -> (i32, i32) {
    %c0_i32 = arith.constant 0 : i32
    %c0_i32_0 = arith.constant 0 : i32
    %c0_i32_1 = arith.constant 0 : i32
    return %c0_i32, %c0_i32_0 : i32, i32
  }
  func.func @transform_4(%arg0: i32) -> (i32, i32) {
    %c0_i32 = arith.constant 0 : i32
    %c0_i32_0 = arith.constant 0 : i32
    return %arg0, %c0_i32 : i32, i32
  }
  func.func @transform_5(%arg0: i32) -> (i32, i32) {
    %c0_i32 = arith.constant 0 : i32
    %c0_i32_0 = arith.constant 0 : i32
    %c0_i32_1 = arith.constant 0 : i32
    return %c0_i32, %c0_i32_0 : i32, i32
  }
}

</mosaic_0001>

<sc_bundles>
// kernel: kernel.4.cloned.1.call-start
scs
__scs_entry_jumppad:
0x0: {  	(pc) =	sbr.rel $0x88, $3  }
0x1: {  	(tag) =	ssettag $0x0;
	lr =	simm.s32 $0x1  }
0x2: {  	[smem:$0x3F9F] =	sst lr;
	_ =	strace $0xD0000000  }
0x3: {  	_ = 	snop  }
0x4: {  	_ = 	snop  }
0x5: {  	_ = 	snop  }
0x6: {  	_ = 	snop  }
0x7: {  	_ = 	snop  }
__scs_overlays_trampoline_lowered:
0x8: {  	[smem:$0x3FAE] =	sst s0  }
0x9: {  	[smem:$0x3FAF] =	sst s1  }
0xa: {  	[smem:$0x3FB0] =	sst s2  }
0xb: {  	[smem:$0x3FB1] =	sst s3  }
0xc: {  	[smem:$0x3FB2] =	sst s4  }
0xd: {  	[smem:$0x3FB3] =	sst s5  }
0xe: {  	[smem:$0x3FB4] =	sst s6  }
0xf: {  	[smem:$0x3FB5] =	sst s7  }
0x10: {  	[smem:$0x3FB6] =	sst s8  }
0x11: {  	[smem:$0x3FB7] =	sst s9;
	s0 =	simm.s32 @!p0 $0x0  }
0x12: {  	s1 =	sld [smem:$0x3F9D];
	s0 =	simm.s32 @p0 $0x1  }
0x13: {  	[smem:$0x3FB8] =	sst s0;
	s0 =	simm.s32 @!p1 $0x0  }
0x14: {  	s2 =	sld [smem:$0x3F9C];
	s0 =	simm.s32 @p1 $0x1  }
0x15: {  	[smem:$0x3FB9] =	sst s0;
	s0 =	simm.s32 @!p2 $0x0  }
0x16: {  	s3 =	sld [smem:$0x3FDB];
	s0 =	simm.s32 @p2 $0x1  }
0x17: {  	s4 =	simm.s32 $0x1BF5;
	[smem:$0x3FBB] =	sst s0  }
0x18: {  	s0 =	sld [smem:$0x3F9E];
	_ =	swait.ge [sflag:s4], $0x0  }
0x19: {  	s7 =	sld [smem:$0x3F9F]  }
0x1a: {  	s8 =	sadd.s32 $0xFFFFE003, lr  }
0x1b: {  	s9 =	sadd.s32 $0xFFFFFEF7, lr;
	s5 =	simm.s32 $0xFFFFFFFF;
	p2 =	slt.u32 s8, $0xFFFFF086  }
0x1c: {  	p1 =	slt.u32 s9, $0xF7A;
	s5 =	simm.s32 @!p2 $0x0  }
0x1d: {  	s5 =	simm.s32 @p1 $0x1;
	p0 =	seq.s32 s7, s2  }
0x1e: {  	s7 =	smul.u32 @!p0 $0xF7A, s2;
	p2 =	seq.s32 @!p0 s5, $0x0  }
0x1f: {  	s9 =	smul.u32 $0xF7A, s1;
	s8 =	simm.s32 @!p0 $0x1BF5;
	p2 =	por !p2, p0  }
0x20: {  	[sflag:s8] =	ssyncset.s32 @!p0 $0xFFFFF086;
	s6 =	sadd.s32 @!p0 s3, s7;
	s7 =	simm.s32 @!p0 $0x108  }
0x21: {  	s3 =	sadd.s32 s3, s9;
	s6 =	sadd.s32 @!p0 $0x88, s6;
	s7 =	simm.s32 @p2 $0x1082  }
0x22: {  	[simem:s7], [sflag:s8] =	dma.local @!p0 [hbm:s6], $0xF7A  }
0x23: {  	s9 =	sor.u32 $0xD0000000, s2;
	s6 =	simm.s32 $0x108;
	_ =	swait.ge @!p0 [sflag:s8], $0x0  }
0x24: {  	s3 =	sadd.s32 $0x88, s3;
	s6 =	simm.s32 @!p1 $0x1082;
	[sflag:s4] =	ssyncset.s32 $0xFFFFF086  }
0x25: {  	[simem:s6], [sflag:s4] =	dma.local [hbm:s3], $0xF7A  }
0x26: {  	[smem:$0x3F9F] =	sst s1;
	(tag) =	ssettag s2;
	_ =	strace s9  }
0x27: {  	s1 =	sld [smem:$0x3FAF]  }
0x28: {  	s2 =	sld [smem:$0x3FB0]  }
0x29: {  	s4 =	sld [smem:$0x3FB2]  }
0x2a: {  	p0 =	seq.s32 s5, $0x0;
	s5 =	sld [smem:$0x3FB3]  }
0x2b: {  	s6 =	sld [smem:$0x3FB4]  }
0x2c: {  	s7 =	sld [smem:$0x3FB5]  }
0x2d: {  	s3 =	simm.s32 $0x108;
	s8 =	sld [smem:$0x3FB6]  }
0x2e: {  	s3 =	simm.s32 @!p0 $0x1082;
	s9 =	sld [smem:$0x3FB7]  }
0x2f: {  	lr =	sadd.s32 s0, s3;
	s0 =	sld [smem:$0x3FAE]  }
0x30: {  	s3 =	sld [smem:$0x3FB1]  }
0x31: {  	[smem:$0x3FBA] =	sst s10  }
0x32: {  	s10 =	sld [smem:$0x3FB8];
	_ =	sdelay $0x3  }
0x33: {  	p0 =	seq.s32 s10, $0x1;
	s10 =	sld [smem:$0x3FBA];
	_ =	sdelay $0x3  }
0x34: {  	[smem:$0x3FBA] =	sst s10  }
0x35: {  	s10 =	sld [smem:$0x3FB9];
	_ =	sdelay $0x3  }
0x36: {  	p1 =	seq.s32 s10, $0x1;
	s10 =	sld [smem:$0x3FBA];
	_ =	sdelay $0x3  }
0x37: {  	[smem:$0x3FBA] =	sst s10  }
0x38: {  	s10 =	sld [smem:$0x3FBB]  }
0x39: {  	_ = 	snop;
	(pc) =	sbr.ind lr, $3  }
0x3a: {  	_ = 	snop  }
0x3b: {  	_ = 	snop  }
0x3c: {  	p2 =	seq.s32 s10, $0x1;
	s10 =	sld [smem:$0x3FBA]  }
0x3d: {  	_ =	shalt  }
0x3e: {  	_ =	shalt  }
0x3f: {  	_ =	shalt  }
0x40: {  	_ =	shalt  }
0x41: {  	_ =	shalt  }
0x42: {  	_ =	shalt  }
0x43: {  	_ =	shalt  }
0x44: {  	_ =	shalt  }
0x45: {  	_ =	shalt  }
0x46: {  	_ =	shalt  }
0x47: {  	_ =	shalt  }
0x48: {  	_ =	shalt  }
0x49: {  	_ =	shalt  }
0x4a: {  	_ =	shalt  }
0x4b: {  	_ =	shalt  }
0x4c: {  	_ =	shalt  }
0x4d: {  	_ =	shalt  }
0x4e: {  	_ =	shalt  }
0x4f: {  	_ =	shalt  }
0x50: {  	_ =	shalt  }
0x51: {  	_ =	shalt  }
0x52: {  	_ =	shalt  }
0x53: {  	_ =	shalt  }
0x54: {  	_ =	shalt  }
0x55: {  	_ =	shalt  }
0x56: {  	_ =	shalt  }
0x57: {  	_ =	shalt  }
0x58: {  	_ =	shalt  }
0x59: {  	_ =	shalt  }
0x5a: {  	_ =	shalt  }
0x5b: {  	_ =	shalt  }
0x5c: {  	_ =	shalt  }
0x5d: {  	_ =	shalt  }
0x5e: {  	_ =	shalt  }
0x5f: {  	_ =	shalt  }
0x60: {  	_ =	shalt  }
0x61: {  	_ =	shalt  }
0x62: {  	_ =	shalt  }
0x63: {  	_ =	shalt  }
0x64: {  	_ =	shalt  }
0x65: {  	_ =	shalt  }
0x66: {  	_ =	shalt  }
0x67: {  	_ =	shalt  }
0x68: {  	_ =	shalt  }
0x69: {  	_ =	shalt  }
0x6a: {  	_ =	shalt  }
0x6b: {  	_ =	shalt  }
0x6c: {  	_ =	shalt  }
0x6d: {  	_ =	shalt  }
0x6e: {  	_ =	shalt  }
0x6f: {  	_ =	shalt  }
0x70: {  	_ =	shalt  }
0x71: {  	_ =	shalt  }
0x72: {  	_ =	shalt  }
0x73: {  	_ =	shalt  }
0x74: {  	_ =	shalt  }
0x75: {  	_ =	shalt  }
0x76: {  	_ =	shalt  }
0x77: {  	_ =	shalt  }
0x78: {  	_ =	shalt  }
0x79: {  	_ =	shalt  }
0x7a: {  	_ =	shalt  }
0x7b: {  	_ =	shalt  }
0x7c: {  	_ =	shalt  }
0x7d: {  	_ =	shalt  }
0x7e: {  	_ =	shalt  }
0x7f: {  	_ =	shalt  }
0x80: {  	_ =	shalt  }
0x81: {  	_ =	shalt  }
0x82: {  	_ =	shalt  }
0x83: {  	_ =	shalt  }
0x84: {  	_ =	shalt  }
0x85: {  	_ =	shalt  }
0x86: {  	_ =	shalt  }
0x87: {  	_ =	shalt  }
.Lfunc_end0:
.L_simem_size_0:
called_computation_lowered:
.L_overlay_start_0:
0x88: {  	s2 =	sld [smem:$0x3FD9]  }
0x89: {  	s3 =	sld [smem:$0x3FFE];
	_ =	sdelay $0x1  }
0x8a: {  	s1 =	srdreg.scid  }
0x8b: {  	s0 =	sand.u32 $0x1, s1  }
0x8c: {  	s15 =	sshll.u32 s0, $0xA;
	s2 =	sadd.s32 s3, s2  }
0x8d: {  	s2 =	sadd.s32 s2, s15  }
0x8e: {  	[smem:$0x3FC6] =	sst s2  }
0x8f: {  	_ = 	snop  }
0x90: {  	s2 =	sld [smem:$0x3FD0];
	_ =	sdelay $0x2  }
0x91: {  	s4 =	simm.s32 $0xA;
	s5 =	simm.s32 $0x10;
	s16 =	sld [smem:$0x3FC8]  }
0x92: {  	[smem:s5], [sflag:s4] =	dma.local [hbm:s2], $0x1  }
0x93: {  	_ =	swait.eq [sflag:s4], $0x1  }
0x94: {  	[sflag:s4] =	ssyncset.done $0x0  }
0x95: {  	s17 =	sld [smem:$0x10];
	[sflag:s4] =	ssyncadd.s32 $0xFFFFFFFF  }
0x96: {  	s18 =	sld [smem:$0x11];
	(tm) =	ssettm $0x1  }
0x97: {  	s19 =	sld [smem:$0x3FFB];
	_ =	sdelay $0x3  }
0x98: {  	_ =	strace s19  }
0x99: {  	s5 =	sld [smem:$0x3FFC];
	_ =	sdelay $0x3  }
0x9a: {  	_ =	strace s5  }
0x9b: {  	s5 =	sld [smem:$0x3FFD];
	_ =	sdelay $0x3  }
0x9c: {  	_ =	strace s5  }
0x9d: {  	_ =	strace $0x8FFFFFFF  }
0x9e: {  	s20 =	sld [smem:$0x3FDB];
	_ =	sdelay $0x1  }
0x9f: {  	s6 =	simm.s32 $_scs_section_size  }
0xa0: {  	s7 =	simm.s32 $_size__tile_overlayer_lowered;
	s8 =	simm.s32 $_tile_overlayer_lowered  }
0xa1: {  	s23 =	simm.s32 $0x1BFF;
	s22 =	sshll.u32 s8, $0x1;
	s5 =	sadd.s32 s6, s20  }
0xa2: {  	s9 =	simm.s32 $0x0;
	s21 =	sshll.u32 s7, $0x1;
	s7 =	sadd.s32 s22, s5  }
0xa3: {  	[timem:s9], [sflag:s23] =	dma.local [hbm:s7], s21  }
0xa4: {  	_ =	swait.ge [sflag:s23], s21  }
0xa5: {  	s6 =	ssub.s32 $0x0, s21;
	[sflag:s23] =	ssyncset.done $0x0  }
0xa6: {  	[sflag:s23] =	ssyncadd.s32 s6;
	_ =	sdelay $0x1  }
0xa7: {  	s24 =	simm.s32 $0x1B8B  }
0xa8: {  	_ =	swait.ge [sflag:s24], $0x1  }
0xa9: {  	[sflag:s24] =	ssyncset.done $0x0  }
0xaa: {  	s25 =	simm.s32 $0x1B8E;
	[sflag:s24] =	ssyncadd.s32 $0xFFFFFFFF  }
0xab: {  	s26 =	simm.s32 $execute0_lowered;
	[smem:$0x3FD2] =	sst s25  }
0xac: {  	s6 =	sshll.u32 s26, $0x1;
	_ =	strace $0x80000046;
	[dreg:$0x1] =	wrdreg $0xFFFFFFFF  }
0xad: {  	s28 =	simm.s32 $_size_execute0_lowered;
	s5 =	sadd.s32 s5, s6;
	[dreg:$0x0] =	wrdreg $0x0  }
0xae: {  	s6 =	sshll.u32 s28, $0x1;
	[dreg:$0x2] =	wrdreg s5  }
0xaf: {  	[dreg:$0x3] =	wrdreg s6  }
0xb0: {  	[dreg:$0x4] =	wrdreg $0xC0  }
0xb1: {  	_ =	task [dreg:s9], $0x5FFFF  }
0xb2: {  	[dreg:$0x1] =	wrdreg $0xFFFFFFFF  }
0xb3: {  	[dreg:$0x0] =	wrdreg $0x60  }
0xb4: {  	[dreg:$0x2] =	wrdreg s16  }
0xb5: {  	[dreg:$0x3] =	wrdreg s18  }
0xb6: {  	[dreg:$0x4] =	wrdreg s17  }
0xb7: {  	[dreg:$0x5] =	wrdreg $0x9  }
0xb8: {  	_ =	task.clear_ibuf [dreg:s9], $0x6FFFF;
	_ =	strace $0x90000046  }
0xb9: {  	s29 =	simm.s32 $0x9;
	_ =	strace $0x80000048  }
0xba: {  	_ =	swait.ge [sflag:s29], $0x1  }
0xbb: {  	[sflag:s29] =	ssyncadd.s32 $0xFFFFFFFF  }
0xbc: {  	_ =	strace $0x90000048  }
0xbd: {  	_ =	sfence  }
0xbe: {  	s30 =	sld [smem:$0x0];
	_ =	sdelay $0x2  }
0xbf: {  	s31 =	sshll.u32 s1, $0xD;
	s1 =	sshrl.u32 s1, $0x2  }
0xc0: {  	s3 =	sand.u32 $0x4000, s31;
	s1 =	sadd.s32 s1, s30  }
0xc1: {  	s0 =	sor.u32 s3, s0;
	s1 =	sshll.u32 s1, $0x11  }
0xc2: {  	s0 =	sor.u32 s1, s0  }
0xc3: {  	s0 =	sadd.s32 $0x8F2B, s0  }
0xc4: {  	[sflag:s0] =	ssyncadd.remote.s32 $0x1  }
0xc5: {  	_ =	sfence.sel $0xFFFF  }
0xc6: {  	[dreg:$0x0] =	wrdreg $0xFFFFFFFF;
	(pc) =	sbr.abs _section_cstart, $3  }
0xc7: {  	[dreg:$0x1] =	wrdreg $0xFFFFFFFF  }
0xc8: {  	_ =	task.clear_ibuf [dreg:s9], $0x2FFFF;
	_ =	strace $0x9FFFFFFF  }
0xc9: {  	(tm) =	ssettm $0x7FFFFFFF  }
tec
execute0_lowered:
.L_overlay_start_1:
0x0: {  	(tag) =	ssettag $0x1  }
0x1: {  	s1 =	rddreg [dreg:$0x0]  }
0x2: {  	s10 =	rddreg [dreg:$0x1]  }
0x3: {  	s11 =	rddreg [dreg:$0x2]  }
0x4: {  	s0 =	rddreg [dreg:$0x3];
	s3 =	simm.s32 $0x0;
	s4 =	srdreg.scid  }
0x5: {  	s2 =	stileid.u32;
	s15 =	simm.s32 $0x880;
	s16 =	simm.s32 $0x1080  }
0x6: {  	s17 =	simm.s32 $0x1880;
	s18 =	simm.s32 $0x2080;
	s19 =	simm.s32 $0x2880  }
0x7: {  	s20 =	simm.s32 $0x3080;
	s21 =	simm.s32 $0x3880;
	s22 =	simm.s32 $0x4080  }
0x8: {  	s28 =	simm.s32 $0x6880;
	s29 =	simm.s32 $0x7080;
	s30 =	simm.s32 $0x7880  }
0x9: {  	s31 =	simm.s32 $0x1;
	[smem:$0x7FF] =	sst s3;
	s4 =	sand.u32 $0x1, s4  }
0xa: {  	s6 =	sshll.u32 s2, $0xA;
	s5 =	ssub.s32 $0x2, s4;
	s4 =	sshll.u32 s4, $0x9  }
0xb: {  	_ =	strace $0x80000047;
	s7 =	sshrl.u32 s5, $0x1;
	s9 =	sor.u32 s4, s6  }
0xc: {  	s12 =	ssub.s32 s5, s7;
	s4 =	sshrl.u32 s9, $0x3;
	s23 =	sshll.u32 s9, $0x5  }
0xd: {  	s6 =	sor.u32 $0x80, s9;
	s13 =	sor.u32 $0x100, s9;
	s14 =	sor.u32 $0x180, s9  }
0xe: {  	s4 =	sadd.s32 s10, s4;
	s5 =	sadd.s32 s11, s23;
	s24 =	sshrl.u32 s6, $0x3  }
0xf: {  	s8 =	sshll.u32 s6, $0x5;
	s25 =	sshrl.u32 s13, $0x3;
	s13 =	sshll.u32 s13, $0x5  }
0x10: {  	s26 =	sshrl.u32 s14, $0x3;
	s14 =	sshll.u32 s14, $0x5;
	s12 =	smax.u32 s12, $0x1  }
0x11: {  	s23 =	simm.s32 $0x4880;
	s6 =	sadd.s32 s10, s24;
	s7 =	sadd.s32 s11, s8  }
0x12: {  	v2 =	vlaneseq.u32;
	s8 =	sadd.s32 s10, s25;
	s9 =	sadd.s32 s11, s13;
	s10 =	sadd.s32 s10, s26  }
0x13: {  	vm0 =	vmmov $0xffff;
	v1 =	vshrl.u32 v2, $0x3;
	s11 =	sadd.s32 s11, s14;
	s13 =	simm.s32 $0x2;
	s14 =	simm.s32 $0x80  }
0x14: {  	v0 =	vand.u32 $0x7, v2;
	v2 =	vor.u32 $0x8, v2;
	v1 =	vmul.u32 $0x8, v1;
	s24 =	simm.s32 $0x5080;
	s25 =	simm.s32 $0x5880;
	s26 =	simm.s32 $0x6080  }
.LBB2_1:
0x15: {  	[tilespmem:s3], [sflag:$0x2] =	stream.linear.gather [hbm4b:s4+s3], $0x80, $0x38;
	[tilespmem:$0x8080] =	vst v63  }
0x16: {  	_ =	swait.ge [sflag:s13], $0x80  }
0x17: {  	[sflag:s13] =	ssyncset.done $0x0  }
0x18: {  	[sflag:s13] =	ssyncadd.s32 $0xFFFFFF80  }
0x19: {  	v3 =	vld [tilespmem:$0x0];
	_ =	sdelay $0x4  }
0x1a: {  	v4 =	vshll.u32 v3, $0x1  }
0x1b: {  	v3 =	vand.u32 $0x7, v3;
	v4 =	vand.u32 $0xFFFFFFF0, v4  }
0x1c: {  	v3 =	vor.u32 v3, v4  }
0x1d: {  	v4 =	vperm.xlane v3, v0;
	_ =	sdelay $0x1  }
0x1e: {  	v3 =	vperm.xlane v3, v2;
	v4 =	vadd.s32 v1, v4;
	_ =	sdelay $0x1  }
0x1f: {  	v3 =	vadd.s32 v1, v3;
	_ =	sdelay $0x2  }
0x20: {  	[tilespmem:s14], [sflag:$0x1] =	stream.indirect_vreg.gather [hbm4b:s1+s3], $0x80, v4, vm0, $0xb8;
	[tilespmem:$0x8080] =	vst v63  }
0x21: {  	_ = 	snop  }
0x22: {  	[tilespmem:s15], [sflag:$0x1] =	stream.indirect_vreg.gather [hbm4b:s1+s3], $0x80, v3, vm0, $0xb8;
	[tilespmem:$0x8080] =	vst v63  }
0x23: {  	v3 =	vld [tilespmem:$0x10];
	_ =	sdelay $0x4  }
0x24: {  	v33 =	vshll.u32 v3, $0x1  }
0x25: {  	v3 =	vand.u32 $0x7, v3;
	v4 =	vand.u32 $0xFFFFFFF0, v33  }
0x26: {  	v3 =	vor.u32 v3, v4  }
0x27: {  	v4 =	vperm.xlane v3, v0;
	_ =	sdelay $0x1  }
0x28: {  	v3 =	vperm.xlane v3, v2;
	v4 =	vadd.s32 v1, v4;
	_ =	sdelay $0x1  }
0x29: {  	v3 =	vadd.s32 v1, v3;
	_ =	sdelay $0x2  }
0x2a: {  	[tilespmem:s16], [sflag:$0x1] =	stream.indirect_vreg.gather [hbm4b:s1+s3], $0x80, v4, vm0, $0xb8;
	[tilespmem:$0x8080] =	vst v63  }
0x2b: {  	_ = 	snop  }
0x2c: {  	[tilespmem:s17], [sflag:$0x1] =	stream.indirect_vreg.gather [hbm4b:s1+s3], $0x80, v3, vm0, $0xb8;
	[tilespmem:$0x8080] =	vst v63  }
0x2d: {  	v3 =	vld [tilespmem:$0x20];
	_ =	sdelay $0x4  }
0x2e: {  	v34 =	vshll.u32 v3, $0x1  }
0x2f: {  	v3 =	vand.u32 $0x7, v3;
	v4 =	vand.u32 $0xFFFFFFF0, v34  }
0x30: {  	v3 =	vor.u32 v3, v4  }
0x31: {  	v4 =	vperm.xlane v3, v0;
	_ =	sdelay $0x1  }
0x32: {  	v3 =	vperm.xlane v3, v2;
	v4 =	vadd.s32 v1, v4;
	_ =	sdelay $0x1  }
0x33: {  	v3 =	vadd.s32 v1, v3;
	_ =	sdelay $0x2  }
0x34: {  	[tilespmem:s18], [sflag:$0x1] =	stream.indirect_vreg.gather [hbm4b:s1+s3], $0x80, v4, vm0, $0xb8;
	[tilespmem:$0x8080] =	vst v63  }
0x35: {  	_ = 	snop  }
0x36: {  	[tilespmem:s19], [sflag:$0x1] =	stream.indirect_vreg.gather [hbm4b:s1+s3], $0x80, v3, vm0, $0xb8;
	[tilespmem:$0x8080] =	vst v63  }
0x37: {  	v3 =	vld [tilespmem:$0x30];
	_ =	sdelay $0x4  }
0x38: {  	v35 =	vshll.u32 v3, $0x1  }
0x39: {  	v3 =	vand.u32 $0x7, v3;
	v4 =	vand.u32 $0xFFFFFFF0, v35  }
0x3a: {  	v3 =	vor.u32 v3, v4  }
0x3b: {  	v4 =	vperm.xlane v3, v0;
	_ =	sdelay $0x1  }
0x3c: {  	v3 =	vperm.xlane v3, v2;
	v4 =	vadd.s32 v1, v4;
	_ =	sdelay $0x1  }
0x3d: {  	v3 =	vadd.s32 v1, v3;
	_ =	sdelay $0x2  }
0x3e: {  	[tilespmem:s20], [sflag:$0x1] =	stream.indirect_vreg.gather [hbm4b:s1+s3], $0x80, v4, vm0, $0xb8;
	[tilespmem:$0x8080] =	vst v63  }
0x3f: {  	_ = 	snop  }
0x40: {  	[tilespmem:s21], [sflag:$0x1] =	stream.indirect_vreg.gather [hbm4b:s1+s3], $0x80, v3, vm0, $0xb8;
	[tilespmem:$0x8080] =	vst v63  }
0x41: {  	v3 =	vld [tilespmem:$0x40];
	_ =	sdelay $0x4  }
0x42: {  	v36 =	vshll.u32 v3, $0x1  }
0x43: {  	v3 =	vand.u32 $0x7, v3;
	v4 =	vand.u32 $0xFFFFFFF0, v36  }
0x44: {  	v3 =	vor.u32 v3, v4  }
0x45: {  	v4 =	vperm.xlane v3, v0;
	_ =	sdelay $0x1  }
0x46: {  	v3 =	vperm.xlane v3, v2;
	v4 =	vadd.s32 v1, v4;
	_ =	sdelay $0x1  }
0x47: {  	v3 =	vadd.s32 v1, v3;
	_ =	sdelay $0x2  }
0x48: {  	[tilespmem:s22], [sflag:$0x1] =	stream.indirect_vreg.gather [hbm4b:s1+s3], $0x80, v4, vm0, $0xb8;
	[tilespmem:$0x8080] =	vst v63  }
0x49: {  	_ = 	snop  }
0x4a: {  	[tilespmem:s23], [sflag:$0x1] =	stream.indirect_vreg.gather [hbm4b:s1+s3], $0x80, v3, vm0, $0xb8;
	[tilespmem:$0x8080] =	vst v63  }
0x4b: {  	v3 =	vld [tilespmem:$0x50];
	_ =	sdelay $0x4  }
0x4c: {  	v37 =	vshll.u32 v3, $0x1  }
0x4d: {  	v3 =	vand.u32 $0x7, v3;
	v4 =	vand.u32 $0xFFFFFFF0, v37  }
0x4e: {  	v3 =	vor.u32 v3, v4  }
0x4f: {  	v4 =	vperm.xlane v3, v0;
	_ =	sdelay $0x1  }
0x50: {  	v3 =	vperm.xlane v3, v2;
	v4 =	vadd.s32 v1, v4;
	_ =	sdelay $0x1  }
0x51: {  	v3 =	vadd.s32 v1, v3;
	_ =	sdelay $0x2  }
0x52: {  	[tilespmem:s24], [sflag:$0x1] =	stream.indirect_vreg.gather [hbm4b:s1+s3], $0x80, v4, vm0, $0xb8;
	[tilespmem:$0x8080] =	vst v63  }
0x53: {  	_ = 	snop  }
0x54: {  	[tilespmem:s25], [sflag:$0x1] =	stream.indirect_vreg.gather [hbm4b:s1+s3], $0x80, v3, vm0, $0xb8;
	[tilespmem:$0x8080] =	vst v63  }
0x55: {  	v3 =	vld [tilespmem:$0x60];
	_ =	sdelay $0x4  }
0x56: {  	v38 =	vshll.u32 v3, $0x1  }
0x57: {  	v3 =	vand.u32 $0x7, v3;
	v4 =	vand.u32 $0xFFFFFFF0, v38  }
0x58: {  	v3 =	vor.u32 v3, v4  }
0x59: {  	v4 =	vperm.xlane v3, v0;
	_ =	sdelay $0x1  }
0x5a: {  	v3 =	vperm.xlane v3, v2;
	v4 =	vadd.s32 v1, v4;
	_ =	sdelay $0x1  }
0x5b: {  	v3 =	vadd.s32 v1, v3;
	_ =	sdelay $0x2  }
0x5c: {  	[tilespmem:s26], [sflag:$0x1] =	stream.indirect_vreg.gather [hbm4b:s1+s3], $0x80, v4, vm0, $0xb8;
	[tilespmem:$0x8080] =	vst v63  }
0x5d: {  	_ = 	snop  }
0x5e: {  	[tilespmem:s28], [sflag:$0x1] =	stream.indirect_vreg.gather [hbm4b:s1+s3], $0x80, v3, vm0, $0xb8;
	[tilespmem:$0x8080] =	vst v63  }
0x5f: {  	v3 =	vld [tilespmem:$0x70];
	_ =	sdelay $0x4  }
0x60: {  	v39 =	vshll.u32 v3, $0x1  }
0x61: {  	v3 =	vand.u32 $0x7, v3;
	v4 =	vand.u32 $0xFFFFFFF0, v39  }
0x62: {  	v3 =	vor.u32 v3, v4  }
0x63: {  	v4 =	vperm.xlane v3, v0;
	_ =	sdelay $0x1  }
0x64: {  	v3 =	vperm.xlane v3, v2;
	v4 =	vadd.s32 v1, v4;
	_ =	sdelay $0x1  }
0x65: {  	v3 =	vadd.s32 v1, v3;
	_ =	sdelay $0x2  }
0x66: {  	[tilespmem:s29], [sflag:$0x1] =	stream.indirect_vreg.gather [hbm4b:s1+s3], $0x80, v4, vm0, $0xb8;
	[tilespmem:$0x8080] =	vst v63  }
0x67: {  	_ = 	snop  }
0x68: {  	[tilespmem:s30], [sflag:$0x1] =	stream.indirect_vreg.gather [hbm4b:s1+s3], $0x80, v3, vm0, $0xb8;
	[tilespmem:$0x8080] =	vst v63  }
0x69: {  	_ =	swait.ge [sflag:s31], $0x8000  }
0x6a: {  	[sflag:s31] =	ssyncset.done $0x0  }
0x6b: {  	[sflag:s31] =	ssyncadd.s32 $0xFFFF8000  }
0x6c: {  	[hbm4b:s5+s3] =	stream.linear.scatter [tilespmem:s14], [sflag:$0x2], $0x8000, $0x38;
	[tilespmem:$0x8080] =	vst v63  }
0x6d: {  	_ =	swait.ge [sflag:s13], $0x8000  }
0x6e: {  	[sflag:s13] =	ssyncset.done $0x0  }
0x6f: {  	[sflag:s13] =	ssyncadd.s32 $0xFFFF8000  }
0x70: {  	[tilespmem:s3], [sflag:$0x2] =	stream.linear.gather [hbm4b:s6+s3], $0x80, $0x38;
	[tilespmem:$0x8080] =	vst v63  }
0x71: {  	_ =	swait.ge [sflag:s13], $0x80  }
0x72: {  	[sflag:s13] =	ssyncset.done $0x0  }
0x73: {  	[sflag:s13] =	ssyncadd.s32 $0xFFFFFF80  }
0x74: {  	v3 =	vld [tilespmem:$0x0];
	_ =	sdelay $0x4  }
0x75: {  	v40 =	vshll.u32 v3, $0x1  }
0x76: {  	v3 =	vand.u32 $0x7, v3;
	v4 =	vand.u32 $0xFFFFFFF0, v40  }
0x77: {  	v3 =	vor.u32 v3, v4  }
0x78: {  	v4 =	vperm.xlane v3, v0;
	_ =	sdelay $0x1  }
0x79: {  	v3 =	vperm.xlane v3, v2;
	v4 =	vadd.s32 v1, v4;
	_ =	sdelay $0x1  }
0x7a: {  	v3 =	vadd.s32 v1, v3;
	_ =	sdelay $0x2  }
0x7b: {  	[tilespmem:s14], [sflag:$0x1] =	stream.indirect_vreg.gather [hbm4b:s1+s3], $0x80, v4, vm0, $0xb8;
	[tilespmem:$0x8080] =	vst v63  }
0x7c: {  	_ = 	snop  }
0x7d: {  	[tilespmem:s15], [sflag:$0x1] =	stream.indirect_vreg.gather [hbm4b:s1+s3], $0x80, v3, vm0, $0xb8;
	[tilespmem:$0x8080] =	vst v63  }
0x7e: {  	v3 =	vld [tilespmem:$0x10];
	_ =	sdelay $0x4  }
0x7f: {  	v41 =	vshll.u32 v3, $0x1  }
0x80: {  	v3 =	vand.u32 $0x7, v3;
	v4 =	vand.u32 $0xFFFFFFF0, v41  }
0x81: {  	v3 =	vor.u32 v3, v4  }
0x82: {  	v4 =	vperm.xlane v3, v0;
	_ =	sdelay $0x1  }
0x83: {  	v3 =	vperm.xlane v3, v2;
	v4 =	vadd.s32 v1, v4;
	_ =	sdelay $0x1  }
0x84: {  	v3 =	vadd.s32 v1, v3;
	_ =	sdelay $0x2  }
0x85: {  	[tilespmem:s16], [sflag:$0x1] =	stream.indirect_vreg.gather [hbm4b:s1+s3], $0x80, v4, vm0, $0xb8;
	[tilespmem:$0x8080] =	vst v63  }
0x86: {  	_ = 	snop  }
0x87: {  	[tilespmem:s17], [sflag:$0x1] =	stream.indirect_vreg.gather [hbm4b:s1+s3], $0x80, v3, vm0, $0xb8;
	[tilespmem:$0x8080] =	vst v63  }
0x88: {  	v3 =	vld [tilespmem:$0x20];
	_ =	sdelay $0x4  }
0x89: {  	v42 =	vshll.u32 v3, $0x1  }
0x8a: {  	v3 =	vand.u32 $0x7, v3;
	v4 =	vand.u32 $0xFFFFFFF0, v42  }
0x8b: {  	v3 =	vor.u32 v3, v4  }
0x8c: {  	v4 =	vperm.xlane v3, v0;
	_ =	sdelay $0x1  }
0x8d: {  	v3 =	vperm.xlane v3, v2;
	v4 =	vadd.s32 v1, v4;
	_ =	sdelay $0x1  }
0x8e: {  	v3 =	vadd.s32 v1, v3;
	_ =	sdelay $0x2  }
0x8f: {  	[tilespmem:s18], [sflag:$0x1] =	stream.indirect_vreg.gather [hbm4b:s1+s3], $0x80, v4, vm0, $0xb8;
	[tilespmem:$0x8080] =	vst v63  }
0x90: {  	_ = 	snop  }
0x91: {  	[tilespmem:s19], [sflag:$0x1] =	stream.indirect_vreg.gather [hbm4b:s1+s3], $0x80, v3, vm0, $0xb8;
	[tilespmem:$0x8080] =	vst v63  }
0x92: {  	v3 =	vld [tilespmem:$0x30];
	_ =	sdelay $0x4  }
0x93: {  	v43 =	vshll.u32 v3, $0x1  }
0x94: {  	v3 =	vand.u32 $0x7, v3;
	v4 =	vand.u32 $0xFFFFFFF0, v43  }
0x95: {  	v3 =	vor.u32 v3, v4  }
0x96: {  	v4 =	vperm.xlane v3, v0;
	_ =	sdelay $0x1  }
0x97: {  	v3 =	vperm.xlane v3, v2;
	v4 =	vadd.s32 v1, v4;
	_ =	sdelay $0x1  }
0x98: {  	v3 =	vadd.s32 v1, v3;
	_ =	sdelay $0x2  }
0x99: {  	[tilespmem:s20], [sflag:$0x1] =	stream.indirect_vreg.gather [hbm4b:s1+s3], $0x80, v4, vm0, $0xb8;
	[tilespmem:$0x8080] =	vst v63  }
0x9a: {  	_ = 	snop  }
0x9b: {  	[tilespmem:s21], [sflag:$0x1] =	stream.indirect_vreg.gather [hbm4b:s1+s3], $0x80, v3, vm0, $0xb8;
	[tilespmem:$0x8080] =	vst v63  }
0x9c: {  	v3 =	vld [tilespmem:$0x40];
	_ =	sdelay $0x4  }
0x9d: {  	v44 =	vshll.u32 v3, $0x1  }
0x9e: {  	v3 =	vand.u32 $0x7, v3;
	v4 =	vand.u32 $0xFFFFFFF0, v44  }
0x9f: {  	v3 =	vor.u32 v3, v4  }
0xa0: {  	v4 =	vperm.xlane v3, v0;
	_ =	sdelay $0x1  }
0xa1: {  	v3 =	vperm.xlane v3, v2;
	v4 =	vadd.s32 v1, v4;
	_ =	sdelay $0x1  }
0xa2: {  	v3 =	vadd.s32 v1, v3;
	_ =	sdelay $0x2  }
0xa3: {  	[tilespmem:s22], [sflag:$0x1] =	stream.indirect_vreg.gather [hbm4b:s1+s3], $0x80, v4, vm0, $0xb8;
	[tilespmem:$0x8080] =	vst v63  }
0xa4: {  	_ = 	snop  }
0xa5: {  	[tilespmem:s23], [sflag:$0x1] =	stream.indirect_vreg.gather [hbm4b:s1+s3], $0x80, v3, vm0, $0xb8;
	[tilespmem:$0x8080] =	vst v63  }
0xa6: {  	v3 =	vld [tilespmem:$0x50];
	_ =	sdelay $0x4  }
0xa7: {  	v45 =	vshll.u32 v3, $0x1  }
0xa8: {  	v3 =	vand.u32 $0x7, v3;
	v4 =	vand.u32 $0xFFFFFFF0, v45  }
0xa9: {  	v3 =	vor.u32 v3, v4  }
0xaa: {  	v4 =	vperm.xlane v3, v0;
	_ =	sdelay $0x1  }
0xab: {  	v3 =	vperm.xlane v3, v2;
	v4 =	vadd.s32 v1, v4;
	_ =	sdelay $0x1  }
0xac: {  	v3 =	vadd.s32 v1, v3;
	_ =	sdelay $0x2  }
0xad: {  	[tilespmem:s24], [sflag:$0x1] =	stream.indirect_vreg.gather [hbm4b:s1+s3], $0x80, v4, vm0, $0xb8;
	[tilespmem:$0x8080] =	vst v63  }
0xae: {  	_ = 	snop  }
0xaf: {  	[tilespmem:s25], [sflag:$0x1] =	stream.indirect_vreg.gather [hbm4b:s1+s3], $0x80, v3, vm0, $0xb8;
	[tilespmem:$0x8080] =	vst v63  }
0xb0: {  	v3 =	vld [tilespmem:$0x60];
	_ =	sdelay $0x4  }
0xb1: {  	v46 =	vshll.u32 v3, $0x1  }
0xb2: {  	v3 =	vand.u32 $0x7, v3;
	v4 =	vand.u32 $0xFFFFFFF0, v46  }
0xb3: {  	v3 =	vor.u32 v3, v4  }
0xb4: {  	v4 =	vperm.xlane v3, v0;
	_ =	sdelay $0x1  }
0xb5: {  	v3 =	vperm.xlane v3, v2;
	v4 =	vadd.s32 v1, v4;
	_ =	sdelay $0x1  }
0xb6: {  	v3 =	vadd.s32 v1, v3;
	_ =	sdelay $0x2  }
0xb7: {  	[tilespmem:s26], [sflag:$0x1] =	stream.indirect_vreg.gather [hbm4b:s1+s3], $0x80, v4, vm0, $0xb8;
	[tilespmem:$0x8080] =	vst v63  }
0xb8: {  	_ = 	snop  }
0xb9: {  	[tilespmem:s28], [sflag:$0x1] =	stream.indirect_vreg.gather [hbm4b:s1+s3], $0x80, v3, vm0, $0xb8;
	[tilespmem:$0x8080] =	vst v63  }
0xba: {  	v3 =	vld [tilespmem:$0x70];
	_ =	sdelay $0x4  }
0xbb: {  	v47 =	vshll.u32 v3, $0x1  }
0xbc: {  	v3 =	vand.u32 $0x7, v3;
	v4 =	vand.u32 $0xFFFFFFF0, v47  }
0xbd: {  	v3 =	vor.u32 v3, v4  }
0xbe: {  	v4 =	vperm.xlane v3, v0;
	_ =	sdelay $0x1  }
0xbf: {  	v3 =	vperm.xlane v3, v2;
	v4 =	vadd.s32 v1, v4;
	_ =	sdelay $0x1  }
0xc0: {  	v3 =	vadd.s32 v1, v3;
	_ =	sdelay $0x2  }
0xc1: {  	[tilespmem:s29], [sflag:$0x1] =	stream.indirect_vreg.gather [hbm4b:s1+s3], $0x80, v4, vm0, $0xb8;
	[tilespmem:$0x8080] =	vst v63  }
0xc2: {  	_ = 	snop  }
0xc3: {  	[tilespmem:s30], [sflag:$0x1] =	stream.indirect_vreg.gather [hbm4b:s1+s3], $0x80, v3, vm0, $0xb8;
	[tilespmem:$0x8080] =	vst v63  }
0xc4: {  	_ =	swait.ge [sflag:s31], $0x8000  }
0xc5: {  	[sflag:s31] =	ssyncset.done $0x0  }
0xc6: {  	[sflag:s31] =	ssyncadd.s32 $0xFFFF8000  }
0xc7: {  	[hbm4b:s7+s3] =	stream.linear.scatter [tilespmem:s14], [sflag:$0x2], $0x8000, $0x38;
	[tilespmem:$0x8080] =	vst v63  }
0xc8: {  	_ =	swait.ge [sflag:s13], $0x8000  }
0xc9: {  	[sflag:s13] =	ssyncset.done $0x0  }
0xca: {  	[sflag:s13] =	ssyncadd.s32 $0xFFFF8000  }
0xcb: {  	[tilespmem:s3], [sflag:$0x2] =	stream.linear.gather [hbm4b:s8+s3], $0x80, $0x38;
	[tilespmem:$0x8080] =	vst v63  }
0xcc: {  	_ =	swait.ge [sflag:s13], $0x80  }
0xcd: {  	[sflag:s13] =	ssyncset.done $0x0  }
0xce: {  	[sflag:s13] =	ssyncadd.s32 $0xFFFFFF80  }
0xcf: {  	v3 =	vld [tilespmem:$0x0];
	_ =	sdelay $0x4  }
0xd0: {  	v48 =	vshll.u32 v3, $0x1  }
0xd1: {  	v3 =	vand.u32 $0x7, v3;
	v4 =	vand.u32 $0xFFFFFFF0, v48  }
0xd2: {  	v3 =	vor.u32 v3, v4  }
0xd3: {  	v4 =	vperm.xlane v3, v0;
	_ =	sdelay $0x1  }
0xd4: {  	v3 =	vperm.xlane v3, v2;
	v4 =	vadd.s32 v1, v4;
	_ =	sdelay $0x1  }
0xd5: {  	v3 =	vadd.s32 v1, v3;
	_ =	sdelay $0x2  }
0xd6: {  	[tilespmem:s14], [sflag:$0x1] =	stream.indirect_vreg.gather [hbm4b:s1+s3], $0x80, v4, vm0, $0xb8;
	[tilespmem:$0x8080] =	vst v63  }
0xd7: {  	_ = 	snop  }
0xd8: {  	[tilespmem:s15], [sflag:$0x1] =	stream.indirect_vreg.gather [hbm4b:s1+s3], $0x80, v3, vm0, $0xb8;
	[tilespmem:$0x8080] =	vst v63  }
0xd9: {  	v3 =	vld [tilespmem:$0x10];
	_ =	sdelay $0x4  }
0xda: {  	v49 =	vshll.u32 v3, $0x1  }
0xdb: {  	v3 =	vand.u32 $0x7, v3;
	v4 =	vand.u32 $0xFFFFFFF0, v49  }
0xdc: {  	v3 =	vor.u32 v3, v4  }
0xdd: {  	v4 =	vperm.xlane v3, v0;
	_ =	sdelay $0x1  }
0xde: {  	v3 =	vperm.xlane v3, v2;
	v4 =	vadd.s32 v1, v4;
	_ =	sdelay $0x1  }
0xdf: {  	v3 =	vadd.s32 v1, v3;
	_ =	sdelay $0x2  }
0xe0: {  	[tilespmem:s16], [sflag:$0x1] =	stream.indirect_vreg.gather [hbm4b:s1+s3], $0x80, v4, vm0, $0xb8;
	[tilespmem:$0x8080] =	vst v63  }
0xe1: {  	_ = 	snop  }
0xe2: {  	[tilespmem:s17], [sflag:$0x1] =	stream.indirect_vreg.gather [hbm4b:s1+s3], $0x80, v3, vm0, $0xb8;
	[tilespmem:$0x8080] =	vst v63  }
0xe3: {  	v3 =	vld [tilespmem:$0x20];
	_ =	sdelay $0x4  }
0xe4: {  	v50 =	vshll.u32 v3, $0x1  }
0xe5: {  	v3 =	vand.u32 $0x7, v3;
	v4 =	vand.u32 $0xFFFFFFF0, v50  }
0xe6: {  	v3 =	vor.u32 v3, v4  }
0xe7: {  	v4 =	vperm.xlane v3, v0;
	_ =	sdelay $0x1  }
0xe8: {  	v3 =	vperm.xlane v3, v2;
	v4 =	vadd.s32 v1, v4;
	_ =	sdelay $0x1  }
0xe9: {  	v3 =	vadd.s32 v1, v3;
	_ =	sdelay $0x2  }
0xea: {  	[tilespmem:s18], [sflag:$0x1] =	stream.indirect_vreg.gather [hbm4b:s1+s3], $0x80, v4, vm0, $0xb8;
	[tilespmem:$0x8080] =	vst v63  }
0xeb: {  	_ = 	snop  }
0xec: {  	[tilespmem:s19], [sflag:$0x1] =	stream.indirect_vreg.gather [hbm4b:s1+s3], $0x80, v3, vm0, $0xb8;
	[tilespmem:$0x8080] =	vst v63  }
0xed: {  	v3 =	vld [tilespmem:$0x30];
	_ =	sdelay $0x4  }
0xee: {  	v51 =	vshll.u32 v3, $0x1  }
0xef: {  	v3 =	vand.u32 $0x7, v3;
	v4 =	vand.u32 $0xFFFFFFF0, v51  }
0xf0: {  	v3 =	vor.u32 v3, v4  }
0xf1: {  	v4 =	vperm.xlane v3, v0;
	_ =	sdelay $0x1  }
0xf2: {  	v3 =	vperm.xlane v3, v2;
	v4 =	vadd.s32 v1, v4;
	_ =	sdelay $0x1  }
0xf3: {  	v3 =	vadd.s32 v1, v3;
	_ =	sdelay $0x2  }
0xf4: {  	[tilespmem:s20], [sflag:$0x1] =	stream.indirect_vreg.gather [hbm4b:s1+s3], $0x80, v4, vm0, $0xb8;
	[tilespmem:$0x8080] =	vst v63  }
0xf5: {  	_ = 	snop  }
0xf6: {  	[tilespmem:s21], [sflag:$0x1] =	stream.indirect_vreg.gather [hbm4b:s1+s3], $0x80, v3, vm0, $0xb8;
	[tilespmem:$0x8080] =	vst v63  }
0xf7: {  	v3 =	vld [tilespmem:$0x40];
	_ =	sdelay $0x4  }
0xf8: {  	v52 =	vshll.u32 v3, $0x1  }
0xf9: {  	v3 =	vand.u32 $0x7, v3;
	v4 =	vand.u32 $0xFFFFFFF0, v52  }
0xfa: {  	v3 =	vor.u32 v3, v4  }
0xfb: {  	v4 =	vperm.xlane v3, v0;
	_ =	sdelay $0x1  }
0xfc: {  	v3 =	vperm.xlane v3, v2;
	v4 =	vadd.s32 v1, v4;
	_ =	sdelay $0x1  }
0xfd: {  	v3 =	vadd.s32 v1, v3;
	_ =	sdelay $0x2  }
0xfe: {  	[tilespmem:s22], [sflag:$0x1] =	stream.indirect_vreg.gather [hbm4b:s1+s3], $0x80, v4, vm0, $0xb8;
	[tilespmem:$0x8080] =	vst v63  }
0xff: {  	_ = 	snop  }
0x100: {  	[tilespmem:s23], [sflag:$0x1] =	stream.indirect_vreg.gather [hbm4b:s1+s3], $0x80, v3, vm0, $0xb8;
	[tilespmem:$0x8080] =	vst v63  }
0x101: {  	v3 =	vld [tilespmem:$0x50];
	_ =	sdelay $0x4  }
0x102: {  	v53 =	vshll.u32 v3, $0x1  }
0x103: {  	v3 =	vand.u32 $0x7, v3;
	v4 =	vand.u32 $0xFFFFFFF0, v53  }
0x104: {  	v3 =	vor.u32 v3, v4  }
0x105: {  	v4 =	vperm.xlane v3, v0;
	_ =	sdelay $0x1  }
0x106: {  	v3 =	vperm.xlane v3, v2;
	v4 =	vadd.s32 v1, v4;
	_ =	sdelay $0x1  }
0x107: {  	v3 =	vadd.s32 v1, v3;
	_ =	sdelay $0x2  }
0x108: {  	[tilespmem:s24], [sflag:$0x1] =	stream.indirect_vreg.gather [hbm4b:s1+s3], $0x80, v4, vm0, $0xb8;
	[tilespmem:$0x8080] =	vst v63  }
0x109: {  	_ = 	snop  }
0x10a: {  	[tilespmem:s25], [sflag:$0x1] =	stream.indirect_vreg.gather [hbm4b:s1+s3], $0x80, v3, vm0, $0xb8;
	[tilespmem:$0x8080] =	vst v63  }
0x10b: {  	v3 =	vld [tilespmem:$0x60];
	_ =	sdelay $0x4  }
0x10c: {  	v54 =	vshll.u32 v3, $0x1  }
0x10d: {  	v3 =	vand.u32 $0x7, v3;
	v4 =	vand.u32 $0xFFFFFFF0, v54  }
0x10e: {  	v3 =	vor.u32 v3, v4  }
0x10f: {  	v4 =	vperm.xlane v3, v0;
	_ =	sdelay $0x1  }
0x110: {  	v3 =	vperm.xlane v3, v2;
	v4 =	vadd.s32 v1, v4;
	_ =	sdelay $0x1  }
0x111: {  	v3 =	vadd.s32 v1, v3;
	_ =	sdelay $0x2  }
0x112: {  	[tilespmem:s26], [sflag:$0x1] =	stream.indirect_vreg.gather [hbm4b:s1+s3], $0x80, v4, vm0, $0xb8;
	[tilespmem:$0x8080] =	vst v63  }
0x113: {  	_ = 	snop  }
0x114: {  	[tilespmem:s28], [sflag:$0x1] =	stream.indirect_vreg.gather [hbm4b:s1+s3], $0x80, v3, vm0, $0xb8;
	[tilespmem:$0x8080] =	vst v63  }
0x115: {  	v3 =	vld [tilespmem:$0x70];
	_ =	sdelay $0x4  }
0x116: {  	v55 =	vshll.u32 v3, $0x1  }
0x117: {  	v3 =	vand.u32 $0x7, v3;
	v4 =	vand.u32 $0xFFFFFFF0, v55  }
0x118: {  	v3 =	vor.u32 v3, v4  }
0x119: {  	v4 =	vperm.xlane v3, v0;
	_ =	sdelay $0x1  }
0x11a: {  	v3 =	vperm.xlane v3, v2;
	v4 =	vadd.s32 v1, v4;
	_ =	sdelay $0x1  }
0x11b: {  	v3 =	vadd.s32 v1, v3;
	_ =	sdelay $0x2  }
0x11c: {  	[tilespmem:s29], [sflag:$0x1] =	stream.indirect_vreg.gather [hbm4b:s1+s3], $0x80, v4, vm0, $0xb8;
	[tilespmem:$0x8080] =	vst v63  }
0x11d: {  	_ = 	snop  }
0x11e: {  	[tilespmem:s30], [sflag:$0x1] =	stream.indirect_vreg.gather [hbm4b:s1+s3], $0x80, v3, vm0, $0xb8;
	[tilespmem:$0x8080] =	vst v63  }
0x11f: {  	_ =	swait.ge [sflag:s31], $0x8000  }
0x120: {  	[sflag:s31] =	ssyncset.done $0x0  }
0x121: {  	[sflag:s31] =	ssyncadd.s32 $0xFFFF8000  }
0x122: {  	[hbm4b:s9+s3] =	stream.linear.scatter [tilespmem:s14], [sflag:$0x2], $0x8000, $0x38;
	[tilespmem:$0x8080] =	vst v63  }
0x123: {  	_ =	swait.ge [sflag:s13], $0x8000  }
0x124: {  	[sflag:s13] =	ssyncset.done $0x0  }
0x125: {  	[sflag:s13] =	ssyncadd.s32 $0xFFFF8000  }
0x126: {  	[tilespmem:s3], [sflag:$0x2] =	stream.linear.gather [hbm4b:s10+s3], $0x80, $0x38;
	[tilespmem:$0x8080] =	vst v63  }
0x127: {  	_ =	swait.ge [sflag:s13], $0x80  }
0x128: {  	[sflag:s13] =	ssyncset.done $0x0  }
0x129: {  	[sflag:s13] =	ssyncadd.s32 $0xFFFFFF80  }
0x12a: {  	v3 =	vld [tilespmem:$0x0];
	_ =	sdelay $0x4  }
0x12b: {  	v56 =	vshll.u32 v3, $0x1  }
0x12c: {  	v3 =	vand.u32 $0x7, v3;
	v4 =	vand.u32 $0xFFFFFFF0, v56  }
0x12d: {  	v3 =	vor.u32 v3, v4  }
0x12e: {  	v4 =	vperm.xlane v3, v0;
	_ =	sdelay $0x1  }
0x12f: {  	v3 =	vperm.xlane v3, v2;
	v4 =	vadd.s32 v1, v4;
	_ =	sdelay $0x1  }
0x130: {  	v3 =	vadd.s32 v1, v3;
	_ =	sdelay $0x2  }
0x131: {  	[tilespmem:s14], [sflag:$0x1] =	stream.indirect_vreg.gather [hbm4b:s1+s3], $0x80, v4, vm0, $0xb8;
	[tilespmem:$0x8080] =	vst v63  }
0x132: {  	_ = 	snop  }
0x133: {  	[tilespmem:s15], [sflag:$0x1] =	stream.indirect_vreg.gather [hbm4b:s1+s3], $0x80, v3, vm0, $0xb8;
	[tilespmem:$0x8080] =	vst v63  }
0x134: {  	v3 =	vld [tilespmem:$0x10];
	_ =	sdelay $0x4  }
0x135: {  	v57 =	vshll.u32 v3, $0x1  }
0x136: {  	v3 =	vand.u32 $0x7, v3;
	v4 =	vand.u32 $0xFFFFFFF0, v57  }
0x137: {  	v3 =	vor.u32 v3, v4  }
0x138: {  	v4 =	vperm.xlane v3, v0;
	_ =	sdelay $0x1  }
0x139: {  	v3 =	vperm.xlane v3, v2;
	v4 =	vadd.s32 v1, v4;
	_ =	sdelay $0x1  }
0x13a: {  	v3 =	vadd.s32 v1, v3;
	_ =	sdelay $0x2  }
0x13b: {  	[tilespmem:s16], [sflag:$0x1] =	stream.indirect_vreg.gather [hbm4b:s1+s3], $0x80, v4, vm0, $0xb8;
	[tilespmem:$0x8080] =	vst v63  }
0x13c: {  	_ = 	snop  }
0x13d: {  	[tilespmem:s17], [sflag:$0x1] =	stream.indirect_vreg.gather [hbm4b:s1+s3], $0x80, v3, vm0, $0xb8;
	[tilespmem:$0x8080] =	vst v63  }
0x13e: {  	v3 =	vld [tilespmem:$0x20];
	_ =	sdelay $0x4  }
0x13f: {  	v58 =	vshll.u32 v3, $0x1  }
0x140: {  	v3 =	vand.u32 $0x7, v3;
	v4 =	vand.u32 $0xFFFFFFF0, v58  }
0x141: {  	v3 =	vor.u32 v3, v4  }
0x142: {  	v4 =	vperm.xlane v3, v0;
	_ =	sdelay $0x1  }
0x143: {  	v3 =	vperm.xlane v3, v2;
	v4 =	vadd.s32 v1, v4;
	_ =	sdelay $0x1  }
0x144: {  	v3 =	vadd.s32 v1, v3;
	_ =	sdelay $0x2  }
0x145: {  	[tilespmem:s18], [sflag:$0x1] =	stream.indirect_vreg.gather [hbm4b:s1+s3], $0x80, v4, vm0, $0xb8;
	[tilespmem:$0x8080] =	vst v63  }
0x146: {  	_ = 	snop  }
0x147: {  	[tilespmem:s19], [sflag:$0x1] =	stream.indirect_vreg.gather [hbm4b:s1+s3], $0x80, v3, vm0, $0xb8;
	[tilespmem:$0x8080] =	vst v63  }
0x148: {  	v3 =	vld [tilespmem:$0x30];
	_ =	sdelay $0x4  }
0x149: {  	v59 =	vshll.u32 v3, $0x1  }
0x14a: {  	v3 =	vand.u32 $0x7, v3;
	v4 =	vand.u32 $0xFFFFFFF0, v59  }
0x14b: {  	v3 =	vor.u32 v3, v4  }
0x14c: {  	v4 =	vperm.xlane v3, v0;
	_ =	sdelay $0x1  }
0x14d: {  	v3 =	vperm.xlane v3, v2;
	v4 =	vadd.s32 v1, v4;
	_ =	sdelay $0x1  }
0x14e: {  	v3 =	vadd.s32 v1, v3;
	_ =	sdelay $0x2  }
0x14f: {  	[tilespmem:s20], [sflag:$0x1] =	stream.indirect_vreg.gather [hbm4b:s1+s3], $0x80, v4, vm0, $0xb8;
	[tilespmem:$0x8080] =	vst v63  }
0x150: {  	_ = 	snop  }
0x151: {  	[tilespmem:s21], [sflag:$0x1] =	stream.indirect_vreg.gather [hbm4b:s1+s3], $0x80, v3, vm0, $0xb8;
	[tilespmem:$0x8080] =	vst v63  }
0x152: {  	v3 =	vld [tilespmem:$0x40];
	_ =	sdelay $0x4  }
0x153: {  	v60 =	vshll.u32 v3, $0x1  }
0x154: {  	v3 =	vand.u32 $0x7, v3;
	v4 =	vand.u32 $0xFFFFFFF0, v60  }
0x155: {  	v3 =	vor.u32 v3, v4  }
0x156: {  	v4 =	vperm.xlane v3, v0;
	_ =	sdelay $0x1  }
0x157: {  	v3 =	vperm.xlane v3, v2;
	v4 =	vadd.s32 v1, v4;
	_ =	sdelay $0x1  }
0x158: {  	v3 =	vadd.s32 v1, v3;
	_ =	sdelay $0x2  }
0x159: {  	[tilespmem:s22], [sflag:$0x1] =	stream.indirect_vreg.gather [hbm4b:s1+s3], $0x80, v4, vm0, $0xb8;
	[tilespmem:$0x8080] =	vst v63  }
0x15a: {  	_ = 	snop  }
0x15b: {  	[tilespmem:s23], [sflag:$0x1] =	stream.indirect_vreg.gather [hbm4b:s1+s3], $0x80, v3, vm0, $0xb8;
	[tilespmem:$0x8080] =	vst v63  }
0x15c: {  	v3 =	vld [tilespmem:$0x50];
	_ =	sdelay $0x4  }
0x15d: {  	v61 =	vshll.u32 v3, $0x1  }
0x15e: {  	v3 =	vand.u32 $0x7, v3;
	v4 =	vand.u32 $0xFFFFFFF0, v61  }
0x15f: {  	v3 =	vor.u32 v3, v4  }
0x160: {  	v4 =	vperm.xlane v3, v0;
	_ =	sdelay $0x1  }
0x161: {  	v3 =	vperm.xlane v3, v2;
	v4 =	vadd.s32 v1, v4;
	_ =	sdelay $0x1  }
0x162: {  	v3 =	vadd.s32 v1, v3;
	_ =	sdelay $0x2  }
0x163: {  	[tilespmem:s24], [sflag:$0x1] =	stream.indirect_vreg.gather [hbm4b:s1+s3], $0x80, v4, vm0, $0xb8;
	[tilespmem:$0x8080] =	vst v63  }
0x164: {  	_ = 	snop  }
0x165: {  	[tilespmem:s25], [sflag:$0x1] =	stream.indirect_vreg.gather [hbm4b:s1+s3], $0x80, v3, vm0, $0xb8;
	[tilespmem:$0x8080] =	vst v63  }
0x166: {  	v3 =	vld [tilespmem:$0x60];
	_ =	sdelay $0x4  }
0x167: {  	v62 =	vshll.u32 v3, $0x1  }
0x168: {  	v3 =	vand.u32 $0x7, v3;
	v4 =	vand.u32 $0xFFFFFFF0, v62  }
0x169: {  	v3 =	vor.u32 v3, v4  }
0x16a: {  	v4 =	vperm.xlane v3, v0;
	_ =	sdelay $0x1  }
0x16b: {  	v3 =	vperm.xlane v3, v2;
	v4 =	vadd.s32 v1, v4;
	_ =	sdelay $0x1  }
0x16c: {  	v3 =	vadd.s32 v1, v3;
	_ =	sdelay $0x2  }
0x16d: {  	[tilespmem:s26], [sflag:$0x1] =	stream.indirect_vreg.gather [hbm4b:s1+s3], $0x80, v4, vm0, $0xb8;
	[tilespmem:$0x8080] =	vst v63  }
0x16e: {  	_ = 	snop  }
0x16f: {  	[tilespmem:s28], [sflag:$0x1] =	stream.indirect_vreg.gather [hbm4b:s1+s3], $0x80, v3, vm0, $0xb8;
	[tilespmem:$0x8080] =	vst v63  }
0x170: {  	v3 =	vld [tilespmem:$0x70];
	_ =	sdelay $0x4  }
0x171: {  	v63 =	vshll.u32 v3, $0x1  }
0x172: {  	v3 =	vand.u32 $0x7, v3;
	v4 =	vand.u32 $0xFFFFFFF0, v63  }
0x173: {  	v3 =	vor.u32 v3, v4  }
0x174: {  	v4 =	vperm.xlane v3, v0;
	_ =	sdelay $0x1  }
0x175: {  	v3 =	vperm.xlane v3, v2;
	v4 =	vadd.s32 v1, v4;
	_ =	sdelay $0x1  }
0x176: {  	v3 =	vadd.s32 v1, v3;
	_ =	sdelay $0x2  }
0x177: {  	[tilespmem:s29], [sflag:$0x1] =	stream.indirect_vreg.gather [hbm4b:s1+s3], $0x80, v4, vm0, $0xb8;
	[tilespmem:$0x8080] =	vst v63  }
0x178: {  	_ = 	snop  }
0x179: {  	[tilespmem:s30], [sflag:$0x1] =	stream.indirect_vreg.gather [hbm4b:s1+s3], $0x80, v3, vm0, $0xb8;
	[tilespmem:$0x8080] =	vst v63  }
0x17a: {  	_ =	swait.ge [sflag:s31], $0x8000  }
0x17b: {  	p0 =	sne.s32 s12, $0x1;
	[sflag:s31] =	ssyncset.done $0x0  }
.Ltmp0:
0x17c: {  	[sflag:s31] =	ssyncadd.s32 $0xFFFF8000;
	(pc) =	sbr.rel @p0 .LBB2_1-.Ltmp0, $4  }
0x17d: {  	[hbm4b:s11+s3] =	stream.linear.scatter [tilespmem:s14], [sflag:$0x2], $0x8000, $0x38;
	[tilespmem:$0x8080] =	vst v63  }
0x17e: {  	_ =	swait.ge [sflag:s13], $0x8000  }
0x17f: {  	[sflag:s13] =	ssyncset.done $0x0  }
0x180: {  	s12 =	sadd.s32 $0xFFFFFFFF, s12;
	[sflag:s13] =	ssyncadd.s32 $0xFFFF8000  }
0x181: {  	_ =	sfence.sel $0x180000  }
0x182: {  	[bflag:$0x0] =	sbarrier.arrive $0xFFFF  }
0x183: {  	p0 =	sne.s32 s2, $0x0;
	_ =	strace $0x90000047  }
0x184: {  	s0 =	sadd.s32 @!p0 $0x100000, s0;
	[bflag:$0x2] =	sbarrier.arrive $0xFFFF  }
0x185: {  	[sflag:s0] =	ssyncadd.tile.s32 @!p0 $0x1;
	_ =	shalt  }
.Lfunc_end2:
_tile_overlayer_lowered:
.L_overlay_start_2:
0x186: {  	(tag) =	ssettag $0x2  }
0x187: {  	s0 =	rddreg [dreg:$0x0];
	s2 =	stileid.u32  }
0x188: {  	s1 =	rddreg [dreg:$0x1];
	p0 =	sne.s32 s2, $0x0  }
0x189: {  	s3 =	rddreg [dreg:$0x2];
	[bflag:$0x3] =	sbarrier.arrive $0xFFFF;
	s2 =	simm.s32 @!p0 $0x1C02  }
0x18a: {  	[timem:s3], [sflag:s2] =	dma.local @!p0 [hbm:s0], s1  }
0x18b: {  	s0 =	simm.s32 @!p0 $0x2  }
0x18c: {  	_ =	swait.ge @!p0 [sflag:s0], s1  }
0x18d: {  	s1 =	ssub.s32 @!p0 $0x0, s1;
	[sflag:s0] =	ssyncset.done @!p0 $0x0  }
0x18e: {  	[sflag:s0] =	ssyncadd.s32 @!p0 s1  }
0x18f: {  	[bflag:$0x3] =	sbarrier.arrive $0xFFFF  }
0x190: {  	_ =	shalt  }

</sc_bundles>
